<compile_context>
chip_gen: v7x
topology: tpu7x:2x2x1
jax: 0.10.2.dev20260603
libtpu: 0.0.44.dev20260713+nightly
codegen_flags: <defaults>
</compile_context>

<pallas_src>
import functools

import jax
import jax.numpy as jnp
from jax import lax
from jax.experimental import pallas as pl
from jax.experimental.pallas import tpu as pltpu
from jax.experimental.pallas import tpu_sc as plsc

B, T, D, E, V = 128, 32, 32, 256, 32
MASK_ID = 0

H = B // 2
HD = H * D

NC, NS = 2, 16
NW = NC * NS
B_PER_W = HD // NW

G = 8
HBLK = H // G


def _sc_gather_body(idx_hbm, et_hbm, gt_hbm, out_f, out_g, idx_v, rows_f, rows_g,
                    sem_f, sem_g):
    wid = lax.axis_index("s") * NC + lax.axis_index("c")
    base = wid * B_PER_W
    pltpu.sync_copy(idx_hbm.at[pl.ds(base, B_PER_W)], idx_v)
    cp_f = pltpu.async_copy(et_hbm.at[idx_v], rows_f, sem_f)
    cp_g = pltpu.async_copy(gt_hbm.at[idx_v], rows_g, sem_g)
    cp_f.wait()
    cp_g.wait()
    pltpu.sync_copy(rows_f, out_f.at[pl.ds(base, B_PER_W)])
    pltpu.sync_copy(rows_g, out_g.at[pl.ds(base, B_PER_W)])


_sc_gather = functools.partial(
    pl.kernel,
    mesh=plsc.VectorSubcoreMesh(core_axis_name="c", subcore_axis_name="s"),
    out_type=[
        jax.ShapeDtypeStruct((HD, E), jnp.float32),
        jax.ShapeDtypeStruct((HD, E), jnp.float32),
    ],
    scratch_types=[
        pltpu.VMEM((B_PER_W,), jnp.int32),
        pltpu.VMEM((B_PER_W, E), jnp.float32),
        pltpu.VMEM((B_PER_W, E), jnp.float32),
        pltpu.SemaphoreType.DMA,
        pltpu.SemaphoreType.DMA,
    ],
)(_sc_gather_body)


def _tc1_body(ids_ref, pp_ref, et_ref, gt_ref, w_ref, b_ref, out_ref, valid_ref):
    i = pl.program_id(0)
    ids = ids_ref[pl.ds(i * G, G), :]
    w = w_ref[0, :]
    bias = b_ref[0, :]
    for g in range(G):
        idsg = ids[g, :]
        onehot = (idsg[:, None] == lax.broadcasted_iota(jnp.int32, (D, V), 1)
                  ).astype(jnp.float32)
        gamma = jnp.dot(onehot, gt_ref[...], preferred_element_type=jnp.float32)
        feat = jnp.dot(onehot, et_ref[...], preferred_element_type=jnp.float32)
        a = gamma * w[None, :]
        c = gamma * bias[None, :] + feat
        pp = pp_ref[g]
        out_ref[g] = pp[:, :, None] * a[None] + c[None]
    valid_ref[...] = jnp.broadcast_to((ids != MASK_ID)[:, None, :], (G, T, D))


def _tc2_body(tok_ref, val_ref, ids_ref, pp_ref, ff_ref, gg_ref, w_ref, b_ref,
              out_ref, valid_ref):
    i = pl.program_id(0)
    ids = ids_ref[pl.ds((i + HBLK) * G, G), :]
    w = w_ref[0, :]
    bias = b_ref[0, :]
    for g in range(G):
        gamma = gg_ref[g]
        feat = ff_ref[g]
        a = gamma * w[None, :]
        c = gamma * bias[None, :] + feat
        pp = pp_ref[g]
        out_ref[g] = pp[:, :, None] * a[None] + c[None]
    valid_ref[...] = jnp.broadcast_to((ids != MASK_ID)[:, None, :], (G, T, D))


def kernel(proprio, dof_ids, embed_table, gamma_table, W, b):
    dof_ids = dof_ids.astype(jnp.int32)
    idx2 = dof_ids[H:].reshape(HD)
    feat2, gamma2 = _sc_gather(idx2, embed_table, gamma_table)
    feat2 = feat2.reshape(H, D, E)
    gamma2 = gamma2.reshape(H, D, E)
    b2 = b.reshape(1, E)

    out_shapes = [
        jax.ShapeDtypeStruct((B, T, D, E), jnp.float32),
        jax.ShapeDtypeStruct((B, T, D), jnp.bool_),
    ]
    tok1, val1 = pl.pallas_call(
        _tc1_body,
        grid=(HBLK,),
        in_specs=[
            pl.BlockSpec((B, D), lambda i: (0, 0)),
            pl.BlockSpec((G, T, D), lambda i: (i, 0, 0)),
            pl.BlockSpec((V, E), lambda i: (0, 0)),
            pl.BlockSpec((V, E), lambda i: (0, 0)),
            pl.BlockSpec((1, E), lambda i: (0, 0)),
            pl.BlockSpec((1, E), lambda i: (0, 0)),
        ],
        out_specs=[
            pl.BlockSpec((G, T, D, E), lambda i: (i, 0, 0, 0)),
            pl.BlockSpec((G, T, D), lambda i: (i, 0, 0)),
        ],
        out_shape=out_shapes,
    )(dof_ids, proprio, embed_table, gamma_table, W, b2)

    tokens, valid = pl.pallas_call(
        _tc2_body,
        grid=(HBLK,),
        in_specs=[
            pl.BlockSpec(memory_space=pl.ANY),
            pl.BlockSpec(memory_space=pl.ANY),
            pl.BlockSpec((B, D), lambda i: (0, 0)),
            pl.BlockSpec((G, T, D), lambda i: (i + HBLK, 0, 0)),
            pl.BlockSpec((G, D, E), lambda i: (i, 0, 0)),
            pl.BlockSpec((G, D, E), lambda i: (i, 0, 0)),
            pl.BlockSpec((1, E), lambda i: (0, 0)),
            pl.BlockSpec((1, E), lambda i: (0, 0)),
        ],
        out_specs=[
            pl.BlockSpec((G, T, D, E), lambda i: (i + HBLK, 0, 0, 0)),
            pl.BlockSpec((G, T, D), lambda i: (i + HBLK, 0, 0)),
        ],
        out_shape=out_shapes,
        input_output_aliases={0: 0, 1: 1},
    )(tok1, val1, dof_ids, proprio, feat2, gamma2, W, b2)
    return tokens, valid

# --- scband reference (transcript-rebuilt; emitter-appended) ---
"""Pipeline reference for scband-dof-tokenizer-53609781789082 (READ-ONLY COPY).

The authoritative reference and input builder live on the scoring server;
editing this copy changes nothing except your own understanding.
"""

import jax, jax.numpy as jnp
import numpy as np

MASK_ID = 0
B, T, D, E, V = 128, 32, 32, 256, 32

def setup_inputs(seed: int = 0) -> dict:
    key = jax.random.key(seed)
    k1, k2, k3, k4, k5 = jax.random.split(key, 5)
    proprio = jax.random.normal(k1, (B, T, D), dtype=jnp.float32)
    dof_ids = jax.random.randint(k2, (B, D), 0, V)
    embed_table = jax.random.normal(k3, (V, E), dtype=jnp.float32) * 0.02
    gamma_table = jax.random.normal(k4, (V, E), dtype=jnp.float32) * 0.02
    W = jax.random.normal(k5, (1, E), dtype=jnp.float32) * 0.1
    b = jnp.zeros((E,), dtype=jnp.float32)
    return {"proprio": proprio, "dof_ids": dof_ids, "embed_table": embed_table, "gamma_table": gamma_table, "W": W, "b": b}

def reference(proprio, dof_ids, embed_table, gamma_table, W, b):
    # eval path (train=False): no random DOF permutation, no mask dropout
    feat_emb = jnp.take(embed_table, dof_ids, axis=0)      # (B, D, E) gather
    gamma = jnp.take(gamma_table, dof_ids, axis=0)          # (B, D, E) gather
    proj = proprio[..., None] @ W + b                        # (B, T, D, E) dense 1->E
    tokens = gamma[:, None] * proj + feat_emb[:, None]      # FiLM-style modulation
    valid = dof_ids != MASK_ID
    valid = jnp.broadcast_to(valid[:, None, :], proprio.shape)  # (B, T, D)
    return tokens, valid

if __name__ == "__main__":
    import jax
    _d = setup_inputs()
    print(jax.jit(kernel)(*tuple(_d.values())))

</pallas_src>

<mosaic_0001>
#map = affine_map<(d0, d1) -> (0)>
#map1 = affine_map<(d0, d1) -> (0, 0)>
module attributes {stable_mosaic.version = 14 : i64} {
  func.func @_sc_gather_body(%arg0: i32, %arg1: i32, %arg2: memref<2048xi32, #tpu.memory_space<hbm>>, %arg3: memref<32x256xf32, #tpu.memory_space<hbm>>, %arg4: memref<32x256xf32, #tpu.memory_space<hbm>>, %arg5: memref<2048x256xf32, #tpu.memory_space<hbm>>, %arg6: memref<2048x256xf32, #tpu.memory_space<hbm>>, %arg7: memref<64xi32, #tpu.memory_space<vmem>>, %arg8: memref<64x256xf32, #tpu.memory_space<vmem>>, %arg9: memref<64x256xf32, #tpu.memory_space<vmem>>, %arg10: memref<!tpu.dma_semaphore, #tpu.memory_space<semaphore_mem>>, %arg11: memref<!tpu.dma_semaphore, #tpu.memory_space<semaphore_mem>>) attributes {dimension_semantics = [#tpu.dimension_semantics<core_parallel>, #tpu.dimension_semantics<subcore_parallel>], iteration_bounds = array<i64: 2, 16>, scalar_prefetch = 0 : i64, scratch_operands = 5 : i64, tpu.core_type = #tpu.core_type<sc_vector_subcore>, window_params = [{transform_indices = #map}, {transform_indices = #map1}, {transform_indices = #map1}, {transform_indices = #map1}, {transform_indices = #map1}]} {
    %mul3A = arith.constant 2 : i32
    %mul3A_0 = arith.muli %arg1, %mul3A : i32
    %add3A = arith.addi %mul3A_0, %arg0 : i32
    %mul3A_1 = arith.constant 64 : i32
    %mul3A_2 = arith.muli %add3A, %mul3A_1 : i32
    "tpu.region"() ({
      %run_scoped3A = tpu.sem_alloc : memref<!tpu.dma_semaphore, #tpu.memory_space<semaphore_mem>>
      %dma_start3A_13 = tpu.memref_slice %arg2[%mul3A_2] : memref<2048xi32, #tpu.memory_space<hbm>> -> memref<64xi32, #tpu.memory_space<hbm>>
      %dma_start3A_14 = tpu.memref_slice %arg2[%mul3A_2] : memref<2048xi32, #tpu.memory_space<hbm>> -> memref<64xi32, #tpu.memory_space<hbm>>
      tpu.enqueue_dma source(%dma_start3A_14 : memref<64xi32, #tpu.memory_space<hbm>>) target(%arg7 : memref<64xi32, #tpu.memory_space<vmem>>) target_semaphore(%run_scoped3A : memref<!tpu.dma_semaphore, #tpu.memory_space<semaphore_mem>>)
      %dma_wait3A_15 = tpu.memref_slice %arg2[%mul3A_2] : memref<2048xi32, #tpu.memory_space<hbm>> -> memref<64xi32, #tpu.memory_space<hbm>>
      %dma_wait3A_16 = tpu.memref_slice %arg2[%mul3A_2] : memref<2048xi32, #tpu.memory_space<hbm>> -> memref<64xi32, #tpu.memory_space<hbm>>
      tpu.wait_dma2 semaphore(%run_scoped3A : memref<!tpu.dma_semaphore, #tpu.memory_space<semaphore_mem>>) src(%dma_wait3A_16 : memref<64xi32, #tpu.memory_space<hbm>>) dst(%arg7 : memref<64xi32, #tpu.memory_space<vmem>>)
      tpu.yield
    }) : () -> ()
    %dma_start3A = arith.constant 0 : i32
    %dma_start3A_3 = arith.constant 0 : i32
    %dma_start3A_4 = tpu.memref_slice %arg3[%dma_start3A, %dma_start3A_3] : memref<32x256xf32, #tpu.memory_space<hbm>> -> memref<32x256xf32, #tpu.memory_space<hbm>>
    tpu.enqueue_indirect_dma source(%dma_start3A_4 : memref<32x256xf32, #tpu.memory_space<hbm>>) target(%arg8 : memref<64x256xf32, #tpu.memory_space<vmem>>) offsets(%arg7 : memref<64xi32, #tpu.memory_space<vmem>>) semaphore(%arg10 : memref<!tpu.dma_semaphore, #tpu.memory_space<semaphore_mem>>)
    %dma_start3A_5 = arith.constant 0 : i32
    %dma_start3A_6 = arith.constant 0 : i32
    %dma_start3A_7 = tpu.memref_slice %arg4[%dma_start3A_5, %dma_start3A_6] : memref<32x256xf32, #tpu.memory_space<hbm>> -> memref<32x256xf32, #tpu.memory_space<hbm>>
    tpu.enqueue_indirect_dma source(%dma_start3A_7 : memref<32x256xf32, #tpu.memory_space<hbm>>) target(%arg9 : memref<64x256xf32, #tpu.memory_space<vmem>>) offsets(%arg7 : memref<64xi32, #tpu.memory_space<vmem>>) semaphore(%arg11 : memref<!tpu.dma_semaphore, #tpu.memory_space<semaphore_mem>>)
    %dma_wait3A = arith.constant 0 : i32
    %dma_wait3A_8 = arith.constant 0 : i32
    %dma_wait3A_9 = tpu.memref_slice %arg3[%dma_wait3A, %dma_wait3A_8] : memref<32x256xf32, #tpu.memory_space<hbm>> -> memref<32x256xf32, #tpu.memory_space<hbm>>
    tpu.wait_indirect_dma semaphore(%arg10 : memref<!tpu.dma_semaphore, #tpu.memory_space<semaphore_mem>>) src(%dma_wait3A_9 : memref<32x256xf32, #tpu.memory_space<hbm>>) dst(%arg8 : memref<64x256xf32, #tpu.memory_space<vmem>>)
    %dma_wait3A_10 = arith.constant 0 : i32
    %dma_wait3A_11 = arith.constant 0 : i32
    %dma_wait3A_12 = tpu.memref_slice %arg4[%dma_wait3A_10, %dma_wait3A_11] : memref<32x256xf32, #tpu.memory_space<hbm>> -> memref<32x256xf32, #tpu.memory_space<hbm>>
    tpu.wait_indirect_dma semaphore(%arg11 : memref<!tpu.dma_semaphore, #tpu.memory_space<semaphore_mem>>) src(%dma_wait3A_12 : memref<32x256xf32, #tpu.memory_space<hbm>>) dst(%arg9 : memref<64x256xf32, #tpu.memory_space<vmem>>)
    "tpu.region"() ({
      %run_scoped3A = tpu.sem_alloc : memref<!tpu.dma_semaphore, #tpu.memory_space<semaphore_mem>>
      %dma_start3A_13 = arith.constant 0 : i32
      %dma_start3A_14 = tpu.memref_slice %arg5[%mul3A_2, %dma_start3A_13] : memref<2048x256xf32, #tpu.memory_space<hbm>> -> memref<64x256xf32, #tpu.memory_space<hbm>>
      %dma_start3A_15 = arith.constant 0 : i32
      %dma_start3A_16 = tpu.memref_slice %arg5[%mul3A_2, %dma_start3A_15] : memref<2048x256xf32, #tpu.memory_space<hbm>> -> memref<64x256xf32, #tpu.memory_space<hbm>>
      tpu.enqueue_dma source(%arg8 : memref<64x256xf32, #tpu.memory_space<vmem>>) target(%dma_start3A_16 : memref<64x256xf32, #tpu.memory_space<hbm>>) target_semaphore(%run_scoped3A : memref<!tpu.dma_semaphore, #tpu.memory_space<semaphore_mem>>)
      %dma_wait3A_17 = arith.constant 0 : i32
      %dma_wait3A_18 = tpu.memref_slice %arg5[%mul3A_2, %dma_wait3A_17] : memref<2048x256xf32, #tpu.memory_space<hbm>> -> memref<64x256xf32, #tpu.memory_space<hbm>>
      %dma_wait3A_19 = arith.constant 0 : i32
      %dma_wait3A_20 = tpu.memref_slice %arg5[%mul3A_2, %dma_wait3A_19] : memref<2048x256xf32, #tpu.memory_space<hbm>> -> memref<64x256xf32, #tpu.memory_space<hbm>>
      tpu.wait_dma2 semaphore(%run_scoped3A : memref<!tpu.dma_semaphore, #tpu.memory_space<semaphore_mem>>) src(%arg8 : memref<64x256xf32, #tpu.memory_space<vmem>>) dst(%dma_wait3A_20 : memref<64x256xf32, #tpu.memory_space<hbm>>)
      tpu.yield
    }) : () -> ()
    "tpu.region"() ({
      %run_scoped3A = tpu.sem_alloc : memref<!tpu.dma_semaphore, #tpu.memory_space<semaphore_mem>>
      %dma_start3A_13 = arith.constant 0 : i32
      %dma_start3A_14 = tpu.memref_slice %arg6[%mul3A_2, %dma_start3A_13] : memref<2048x256xf32, #tpu.memory_space<hbm>> -> memref<64x256xf32, #tpu.memory_space<hbm>>
      %dma_start3A_15 = arith.constant 0 : i32
      %dma_start3A_16 = tpu.memref_slice %arg6[%mul3A_2, %dma_start3A_15] : memref<2048x256xf32, #tpu.memory_space<hbm>> -> memref<64x256xf32, #tpu.memory_space<hbm>>
      tpu.enqueue_dma source(%arg9 : memref<64x256xf32, #tpu.memory_space<vmem>>) target(%dma_start3A_16 : memref<64x256xf32, #tpu.memory_space<hbm>>) target_semaphore(%run_scoped3A : memref<!tpu.dma_semaphore, #tpu.memory_space<semaphore_mem>>)
      %dma_wait3A_17 = arith.constant 0 : i32
      %dma_wait3A_18 = tpu.memref_slice %arg6[%mul3A_2, %dma_wait3A_17] : memref<2048x256xf32, #tpu.memory_space<hbm>> -> memref<64x256xf32, #tpu.memory_space<hbm>>
      %dma_wait3A_19 = arith.constant 0 : i32
      %dma_wait3A_20 = tpu.memref_slice %arg6[%mul3A_2, %dma_wait3A_19] : memref<2048x256xf32, #tpu.memory_space<hbm>> -> memref<64x256xf32, #tpu.memory_space<hbm>>
      tpu.wait_dma2 semaphore(%run_scoped3A : memref<!tpu.dma_semaphore, #tpu.memory_space<semaphore_mem>>) src(%arg9 : memref<64x256xf32, #tpu.memory_space<vmem>>) dst(%dma_wait3A_20 : memref<64x256xf32, #tpu.memory_space<hbm>>)
      tpu.yield
    }) : () -> ()
    return
  }
}

module attributes {stable_mosaic.version = 14 : i64} {
  func.func @_tc1_body(%arg0: i32, %arg1: memref<128x32xi32, #tpu.memory_space<vmem>>, %arg2: memref<8x32x32xf32, #tpu.memory_space<vmem>>, %arg3: memref<32x256xf32, #tpu.memory_space<vmem>>, %arg4: memref<32x256xf32, #tpu.memory_space<vmem>>, %arg5: memref<1x256xf32, #tpu.memory_space<vmem>>, %arg6: memref<1x256xf32, #tpu.memory_space<vmem>>, %arg7: memref<8x32x32x256xf32, #tpu.memory_space<vmem>>, %arg8: memref<8x32x32xi32, #tpu.memory_space<vmem>>) attributes {dimension_semantics = [#tpu.dimension_semantics<arbitrary>], iteration_bounds = array<i64: 8>, scalar_prefetch = 0 : i64, scratch_operands = 0 : i64, tpu.core_type = #tpu.core_type<tc>, window_params = [{pipeline_mode = #tpu.pipeline_mode<synchronous>, transform_indices = @transform_0, window_bounds = array<i64: 128, 32>}, {transform_indices = @transform_1, window_bounds = array<i64: 8, 32, 32>}, {pipeline_mode = #tpu.pipeline_mode<synchronous>, transform_indices = @transform_2, window_bounds = array<i64: 32, 256>}, {pipeline_mode = #tpu.pipeline_mode<synchronous>, transform_indices = @transform_3, window_bounds = array<i64: 32, 256>}, {pipeline_mode = #tpu.pipeline_mode<synchronous>, transform_indices = @transform_4, window_bounds = array<i64: 1, 256>}, {pipeline_mode = #tpu.pipeline_mode<synchronous>, transform_indices = @transform_5, window_bounds = array<i64: 1, 256>}, {transform_indices = @transform_6, window_bounds = array<i64: 8, 32, 32, 256>}, {transform_indices = @transform_7, window_bounds = array<i64: 8, 32, 32>}]} {
    %mul3A = arith.constant 8 : i32
    %mul3A_0 = arith.muli %arg0, %mul3A : i32
    %get3A = arith.index_cast %mul3A_0 : i32 to index
    %get3A_1 = arith.constant 0 : index
    %get3A_2 = vector.load %arg1[%get3A, %get3A_1] : memref<128x32xi32, #tpu.memory_space<vmem>>, vector<8x32xi32>
    %get3A_3 = arith.constant 0 : index
    %get3A_4 = arith.constant 0 : index
    %get3A_5 = vector.load %arg5[%get3A_3, %get3A_4] : memref<1x256xf32, #tpu.memory_space<vmem>>, vector<1x256xf32>
    %get3A_6 = vector.shape_cast %get3A_5 : vector<1x256xf32> to vector<256xf32>
    %get3A_7 = arith.constant 0 : index
    %get3A_8 = arith.constant 0 : index
    %get3A_9 = vector.load %arg6[%get3A_7, %get3A_8] : memref<1x256xf32, #tpu.memory_space<vmem>>, vector<1x256xf32>
    %get3A_10 = vector.shape_cast %get3A_9 : vector<1x256xf32> to vector<256xf32>
    %slice3A = vector.extract_strided_slice %get3A_2 {offsets = [0, 0], sizes = [1, 32], strides = [1, 1]} : vector<8x32xi32> to vector<1x32xi32>
    %squeeze3A = vector.shape_cast %slice3A : vector<1x32xi32> to vector<32xi32>
    %broadcast_in_dim3A = vector.shape_cast %squeeze3A : vector<32xi32> to vector<32x1xi32>
    %iota3A = tpu.iota {dimensions = array<i32: 1>} : vector<32x32xi32>
    %eq3A = vector.broadcast %broadcast_in_dim3A : vector<32x1xi32> to vector<32x32xi32>
    %eq3A_11 = arith.cmpi eq, %eq3A, %iota3A : vector<32x32xi32>
    %convert_element_type3A = arith.extui %eq3A_11 : vector<32x32xi1> to vector<32x32xi32>
    %convert_element_type3A_12 = arith.sitofp %convert_element_type3A : vector<32x32xi32> to vector<32x32xf32>
    %get3A_13 = arith.constant 0 : index
    %get3A_14 = arith.constant 0 : index
    %get3A_15 = vector.load %arg4[%get3A_13, %get3A_14] : memref<32x256xf32, #tpu.memory_space<vmem>>, vector<32x256xf32>
    %dot_general3A = arith.constant dense<0.000000e+00> : vector<32x256xf32>
    %dot_general3A_16 = tpu.matmul %convert_element_type3A_12, %get3A_15, %dot_general3A {dimension_numbers = #tpu.dot_dimension_numbers<[1], [0], [0], [1], [0, 0, 1, 1], [], []>, transpose_lhs_hint = false} : vector<32x32xf32>, vector<32x256xf32>, vector<32x256xf32> -> vector<32x256xf32>
    %get3A_17 = arith.constant 0 : index
    %get3A_18 = arith.constant 0 : index
    %get3A_19 = vector.load %arg3[%get3A_17, %get3A_18] : memref<32x256xf32, #tpu.memory_space<vmem>>, vector<32x256xf32>
    %dot_general3A_20 = arith.constant dense<0.000000e+00> : vector<32x256xf32>
    %dot_general3A_21 = tpu.matmul %convert_element_type3A_12, %get3A_19, %dot_general3A_20 {dimension_numbers = #tpu.dot_dimension_numbers<[1], [0], [0], [1], [0, 0, 1, 1], [], []>, transpose_lhs_hint = false} : vector<32x32xf32>, vector<32x256xf32>, vector<32x256xf32> -> vector<32x256xf32>
    %broadcast_in_dim3A_22 = vector.shape_cast %get3A_6 : vector<256xf32> to vector<1x256xf32>
    %mul3A_23 = vector.broadcast %broadcast_in_dim3A_22 : vector<1x256xf32> to vector<32x256xf32>
    %mul3A_24 = arith.mulf %dot_general3A_16, %mul3A_23 : vector<32x256xf32>
    %broadcast_in_dim3A_25 = vector.shape_cast %get3A_10 : vector<256xf32> to vector<1x256xf32>
    %mul3A_26 = vector.broadcast %broadcast_in_dim3A_25 : vector<1x256xf32> to vector<32x256xf32>
    %mul3A_27 = arith.mulf %dot_general3A_16, %mul3A_26 : vector<32x256xf32>
    %add3A = arith.addf %mul3A_27, %dot_general3A_21 : vector<32x256xf32>
    %get3A_28 = arith.constant 0 : index
    %get3A_29 = arith.constant 0 : index
    %get3A_30 = arith.constant 0 : index
    %get3A_31 = vector.load %arg2[%get3A_28, %get3A_29, %get3A_30] : memref<8x32x32xf32, #tpu.memory_space<vmem>>, vector<1x32x32xf32>
    %get3A_32 = vector.shape_cast %get3A_31 : vector<1x32x32xf32> to vector<32x32xf32>
    %broadcast_in_dim3A_33 = vector.shape_cast %get3A_32 : vector<32x32xf32> to vector<32x32x1xf32>
    %broadcast_in_dim3A_34 = vector.shape_cast %mul3A_24 : vector<32x256xf32> to vector<1x32x256xf32>
    %mul3A_35 = vector.broadcast %broadcast_in_dim3A_33 : vector<32x32x1xf32> to vector<32x32x256xf32>
    %mul3A_36 = vector.broadcast %broadcast_in_dim3A_34 : vector<1x32x256xf32> to vector<32x32x256xf32>
    %mul3A_37 = arith.mulf %mul3A_35, %mul3A_36 : vector<32x32x256xf32>
    %broadcast_in_dim3A_38 = vector.shape_cast %add3A : vector<32x256xf32> to vector<1x32x256xf32>
    %add3A_39 = vector.broadcast %broadcast_in_dim3A_38 : vector<1x32x256xf32> to vector<32x32x256xf32>
    %add3A_40 = arith.addf %mul3A_37, %add3A_39 : vector<32x32x256xf32>
    %swap3A = arith.constant 0 : index
    %swap3A_41 = arith.constant 0 : index
    %swap3A_42 = arith.constant 0 : index
    %swap3A_43 = arith.constant 0 : index
    %swap3A_44 = vector.load %arg7[%swap3A, %swap3A_41, %swap3A_42, %swap3A_43] : memref<8x32x32x256xf32, #tpu.memory_space<vmem>>, vector<1x32x32x256xf32>
    %swap3A_45 = vector.shape_cast %swap3A_44 : vector<1x32x32x256xf32> to vector<32x32x256xf32>
    %swap3A_46 = vector.shape_cast %add3A_40 : vector<32x32x256xf32> to vector<1x32x32x256xf32>
    tpu.vector_store %arg7[%swap3A, %swap3A_41, %swap3A_42, %swap3A_43], %swap3A_46 {strides = array<i32>} : memref<8x32x32x256xf32, #tpu.memory_space<vmem>>, vector<1x32x32x256xf32>,
    %slice3A_47 = vector.extract_strided_slice %get3A_2 {offsets = [1, 0], sizes = [1, 32], strides = [1, 1]} : vector<8x32xi32> to vector<1x32xi32>
    %squeeze3A_48 = vector.shape_cast %slice3A_47 : vector<1x32xi32> to vector<32xi32>
    %broadcast_in_dim3A_49 = vector.shape_cast %squeeze3A_48 : vector<32xi32> to vector<32x1xi32>
    %iota3A_50 = tpu.iota {dimensions = array<i32: 1>} : vector<32x32xi32>
    %eq3A_51 = vector.broadcast %broadcast_in_dim3A_49 : vector<32x1xi32> to vector<32x32xi32>
    %eq3A_52 = arith.cmpi eq, %eq3A_51, %iota3A_50 : vector<32x32xi32>
    %convert_element_type3A_53 = arith.extui %eq3A_52 : vector<32x32xi1> to vector<32x32xi32>
    %convert_element_type3A_54 = arith.sitofp %convert_element_type3A_53 : vector<32x32xi32> to vector<32x32xf32>
    %get3A_55 = arith.constant 0 : index
    %get3A_56 = arith.constant 0 : index
    %get3A_57 = vector.load %arg4[%get3A_55, %get3A_56] : memref<32x256xf32, #tpu.memory_space<vmem>>, vector<32x256xf32>
    %dot_general3A_58 = arith.constant dense<0.000000e+00> : vector<32x256xf32>
    %dot_general3A_59 = tpu.matmul %convert_element_type3A_54, %get3A_57, %dot_general3A_58 {dimension_numbers = #tpu.dot_dimension_numbers<[1], [0], [0], [1], [0, 0, 1, 1], [], []>, transpose_lhs_hint = false} : vector<32x32xf32>, vector<32x256xf32>, vector<32x256xf32> -> vector<32x256xf32>
    %get3A_60 = arith.constant 0 : index
    %get3A_61 = arith.constant 0 : index
    %get3A_62 = vector.load %arg3[%get3A_60, %get3A_61] : memref<32x256xf32, #tpu.memory_space<vmem>>, vector<32x256xf32>
    %dot_general3A_63 = arith.constant dense<0.000000e+00> : vector<32x256xf32>
    %dot_general3A_64 = tpu.matmul %convert_element_type3A_54, %get3A_62, %dot_general3A_63 {dimension_numbers = #tpu.dot_dimension_numbers<[1], [0], [0], [1], [0, 0, 1, 1], [], []>, transpose_lhs_hint = false} : vector<32x32xf32>, vector<32x256xf32>, vector<32x256xf32> -> vector<32x256xf32>
    %broadcast_in_dim3A_65 = vector.shape_cast %get3A_6 : vector<256xf32> to vector<1x256xf32>
    %mul3A_66 = vector.broadcast %broadcast_in_dim3A_65 : vector<1x256xf32> to vector<32x256xf32>
    %mul3A_67 = arith.mulf %dot_general3A_59, %mul3A_66 : vector<32x256xf32>
    %broadcast_in_dim3A_68 = vector.shape_cast %get3A_10 : vector<256xf32> to vector<1x256xf32>
    %mul3A_69 = vector.broadcast %broadcast_in_dim3A_68 : vector<1x256xf32> to vector<32x256xf32>
    %mul3A_70 = arith.mulf %dot_general3A_59, %mul3A_69 : vector<32x256xf32>
    %add3A_71 = arith.addf %mul3A_70, %dot_general3A_64 : vector<32x256xf32>
    %get3A_72 = arith.constant 1 : index
    %get3A_73 = arith.constant 0 : index
    %get3A_74 = arith.constant 0 : index
    %get3A_75 = vector.load %arg2[%get3A_72, %get3A_73, %get3A_74] : memref<8x32x32xf32, #tpu.memory_space<vmem>>, vector<1x32x32xf32>
    %get3A_76 = vector.shape_cast %get3A_75 : vector<1x32x32xf32> to vector<32x32xf32>
    %broadcast_in_dim3A_77 = vector.shape_cast %get3A_76 : vector<32x32xf32> to vector<32x32x1xf32>
    %broadcast_in_dim3A_78 = vector.shape_cast %mul3A_67 : vector<32x256xf32> to vector<1x32x256xf32>
    %mul3A_79 = vector.broadcast %broadcast_in_dim3A_77 : vector<32x32x1xf32> to vector<32x32x256xf32>
    %mul3A_80 = vector.broadcast %broadcast_in_dim3A_78 : vector<1x32x256xf32> to vector<32x32x256xf32>
    %mul3A_81 = arith.mulf %mul3A_79, %mul3A_80 : vector<32x32x256xf32>
    %broadcast_in_dim3A_82 = vector.shape_cast %add3A_71 : vector<32x256xf32> to vector<1x32x256xf32>
    %add3A_83 = vector.broadcast %broadcast_in_dim3A_82 : vector<1x32x256xf32> to vector<32x32x256xf32>
    %add3A_84 = arith.addf %mul3A_81, %add3A_83 : vector<32x32x256xf32>
    %swap3A_85 = arith.constant 1 : index
    %swap3A_86 = arith.constant 0 : index
    %swap3A_87 = arith.constant 0 : index
    %swap3A_88 = arith.constant 0 : index
    %swap3A_89 = vector.load %arg7[%swap3A_85, %swap3A_86, %swap3A_87, %swap3A_88] : memref<8x32x32x256xf32, #tpu.memory_space<vmem>>, vector<1x32x32x256xf32>
    %swap3A_90 = vector.shape_cast %swap3A_89 : vector<1x32x32x256xf32> to vector<32x32x256xf32>
    %swap3A_91 = vector.shape_cast %add3A_84 : vector<32x32x256xf32> to vector<1x32x32x256xf32>
    tpu.vector_store %arg7[%swap3A_85, %swap3A_86, %swap3A_87, %swap3A_88], %swap3A_91 {strides = array<i32>} : memref<8x32x32x256xf32, #tpu.memory_space<vmem>>, vector<1x32x32x256xf32>,
    %slice3A_92 = vector.extract_strided_slice %get3A_2 {offsets = [2, 0], sizes = [1, 32], strides = [1, 1]} : vector<8x32xi32> to vector<1x32xi32>
    %squeeze3A_93 = vector.shape_cast %slice3A_92 : vector<1x32xi32> to vector<32xi32>
    %broadcast_in_dim3A_94 = vector.shape_cast %squeeze3A_93 : vector<32xi32> to vector<32x1xi32>
    %iota3A_95 = tpu.iota {dimensions = array<i32: 1>} : vector<32x32xi32>
    %eq3A_96 = vector.broadcast %broadcast_in_dim3A_94 : vector<32x1xi32> to vector<32x32xi32>
    %eq3A_97 = arith.cmpi eq, %eq3A_96, %iota3A_95 : vector<32x32xi32>
    %convert_element_type3A_98 = arith.extui %eq3A_97 : vector<32x32xi1> to vector<32x32xi32>
    %convert_element_type3A_99 = arith.sitofp %convert_element_type3A_98 : vector<32x32xi32> to vector<32x32xf32>
    %get3A_100 = arith.constant 0 : index
    %get3A_101 = arith.constant 0 : index
    %get3A_102 = vector.load %arg4[%get3A_100, %get3A_101] : memref<32x256xf32, #tpu.memory_space<vmem>>, vector<32x256xf32>
    %dot_general3A_103 = arith.constant dense<0.000000e+00> : vector<32x256xf32>
    %dot_general3A_104 = tpu.matmul %convert_element_type3A_99, %get3A_102, %dot_general3A_103 {dimension_numbers = #tpu.dot_dimension_numbers<[1], [0], [0], [1], [0, 0, 1, 1], [], []>, transpose_lhs_hint = false} : vector<32x32xf32>, vector<32x256xf32>, vector<32x256xf32> -> vector<32x256xf32>
    %get3A_105 = arith.constant 0 : index
    %get3A_106 = arith.constant 0 : index
    %get3A_107 = vector.load %arg3[%get3A_105, %get3A_106] : memref<32x256xf32, #tpu.memory_space<vmem>>, vector<32x256xf32>
    %dot_general3A_108 = arith.constant dense<0.000000e+00> : vector<32x256xf32>
    %dot_general3A_109 = tpu.matmul %convert_element_type3A_99, %get3A_107, %dot_general3A_108 {dimension_numbers = #tpu.dot_dimension_numbers<[1], [0], [0], [1], [0, 0, 1, 1], [], []>, transpose_lhs_hint = false} : vector<32x32xf32>, vector<32x256xf32>, vector<32x256xf32> -> vector<32x256xf32>
    %broadcast_in_dim3A_110 = vector.shape_cast %get3A_6 : vector<256xf32> to vector<1x256xf32>
    %mul3A_111 = vector.broadcast %broadcast_in_dim3A_110 : vector<1x256xf32> to vector<32x256xf32>
    %mul3A_112 = arith.mulf %dot_general3A_104, %mul3A_111 : vector<32x256xf32>
    %broadcast_in_dim3A_113 = vector.shape_cast %get3A_10 : vector<256xf32> to vector<1x256xf32>
    %mul3A_114 = vector.broadcast %broadcast_in_dim3A_113 : vector<1x256xf32> to vector<32x256xf32>
    %mul3A_115 = arith.mulf %dot_general3A_104, %mul3A_114 : vector<32x256xf32>
    %add3A_116 = arith.addf %mul3A_115, %dot_general3A_109 : vector<32x256xf32>
    %get3A_117 = arith.constant 2 : index
    %get3A_118 = arith.constant 0 : index
    %get3A_119 = arith.constant 0 : index
    %get3A_120 = vector.load %arg2[%get3A_117, %get3A_118, %get3A_119] : memref<8x32x32xf32, #tpu.memory_space<vmem>>, vector<1x32x32xf32>
    %get3A_121 = vector.shape_cast %get3A_120 : vector<1x32x32xf32> to vector<32x32xf32>
    %broadcast_in_dim3A_122 = vector.shape_cast %get3A_121 : vector<32x32xf32> to vector<32x32x1xf32>
    %broadcast_in_dim3A_123 = vector.shape_cast %mul3A_112 : vector<32x256xf32> to vector<1x32x256xf32>
    %mul3A_124 = vector.broadcast %broadcast_in_dim3A_122 : vector<32x32x1xf32> to vector<32x32x256xf32>
    %mul3A_125 = vector.broadcast %broadcast_in_dim3A_123 : vector<1x32x256xf32> to vector<32x32x256xf32>
    %mul3A_126 = arith.mulf %mul3A_124, %mul3A_125 : vector<32x32x256xf32>
    %broadcast_in_dim3A_127 = vector.shape_cast %add3A_116 : vector<32x256xf32> to vector<1x32x256xf32>
    %add3A_128 = vector.broadcast %broadcast_in_dim3A_127 : vector<1x32x256xf32> to vector<32x32x256xf32>
    %add3A_129 = arith.addf %mul3A_126, %add3A_128 : vector<32x32x256xf32>
    %swap3A_130 = arith.constant 2 : index
    %swap3A_131 = arith.constant 0 : index
    %swap3A_132 = arith.constant 0 : index
    %swap3A_133 = arith.constant 0 : index
    %swap3A_134 = vector.load %arg7[%swap3A_130, %swap3A_131, %swap3A_132, %swap3A_133] : memref<8x32x32x256xf32, #tpu.memory_space<vmem>>, vector<1x32x32x256xf32>
    %swap3A_135 = vector.shape_cast %swap3A_134 : vector<1x32x32x256xf32> to vector<32x32x256xf32>
    %swap3A_136 = vector.shape_cast %add3A_129 : vector<32x32x256xf32> to vector<1x32x32x256xf32>
    tpu.vector_store %arg7[%swap3A_130, %swap3A_131, %swap3A_132, %swap3A_133], %swap3A_136 {strides = array<i32>} : memref<8x32x32x256xf32, #tpu.memory_space<vmem>>, vector<1x32x32x256xf32>,
    %slice3A_137 = vector.extract_strided_slice %get3A_2 {offsets = [3, 0], sizes = [1, 32], strides = [1, 1]} : vector<8x32xi32> to vector<1x32xi32>
    %squeeze3A_138 = vector.shape_cast %slice3A_137 : vector<1x32xi32> to vector<32xi32>
    %broadcast_in_dim3A_139 = vector.shape_cast %squeeze3A_138 : vector<32xi32> to vector<32x1xi32>
    %iota3A_140 = tpu.iota {dimensions = array<i32: 1>} : vector<32x32xi32>
    %eq3A_141 = vector.broadcast %broadcast_in_dim3A_139 : vector<32x1xi32> to vector<32x32xi32>
    %eq3A_142 = arith.cmpi eq, %eq3A_141, %iota3A_140 : vector<32x32xi32>
    %convert_element_type3A_143 = arith.extui %eq3A_142 : vector<32x32xi1> to vector<32x32xi32>
    %convert_element_type3A_144 = arith.sitofp %convert_element_type3A_143 : vector<32x32xi32> to vector<32x32xf32>
    %get3A_145 = arith.constant 0 : index
    %get3A_146 = arith.constant 0 : index
    %get3A_147 = vector.load %arg4[%get3A_145, %get3A_146] : memref<32x256xf32, #tpu.memory_space<vmem>>, vector<32x256xf32>
    %dot_general3A_148 = arith.constant dense<0.000000e+00> : vector<32x256xf32>
    %dot_general3A_149 = tpu.matmul %convert_element_type3A_144, %get3A_147, %dot_general3A_148 {dimension_numbers = #tpu.dot_dimension_numbers<[1], [0], [0], [1], [0, 0, 1, 1], [], []>, transpose_lhs_hint = false} : vector<32x32xf32>, vector<32x256xf32>, vector<32x256xf32> -> vector<32x256xf32>
    %get3A_150 = arith.constant 0 : index
    %get3A_151 = arith.constant 0 : index
    %get3A_152 = vector.load %arg3[%get3A_150, %get3A_151] : memref<32x256xf32, #tpu.memory_space<vmem>>, vector<32x256xf32>
    %dot_general3A_153 = arith.constant dense<0.000000e+00> : vector<32x256xf32>
    %dot_general3A_154 = tpu.matmul %convert_element_type3A_144, %get3A_152, %dot_general3A_153 {dimension_numbers = #tpu.dot_dimension_numbers<[1], [0], [0], [1], [0, 0, 1, 1], [], []>, transpose_lhs_hint = false} : vector<32x32xf32>, vector<32x256xf32>, vector<32x256xf32> -> vector<32x256xf32>
    %broadcast_in_dim3A_155 = vector.shape_cast %get3A_6 : vector<256xf32> to vector<1x256xf32>
    %mul3A_156 = vector.broadcast %broadcast_in_dim3A_155 : vector<1x256xf32> to vector<32x256xf32>
    %mul3A_157 = arith.mulf %dot_general3A_149, %mul3A_156 : vector<32x256xf32>
    %broadcast_in_dim3A_158 = vector.shape_cast %get3A_10 : vector<256xf32> to vector<1x256xf32>
    %mul3A_159 = vector.broadcast %broadcast_in_dim3A_158 : vector<1x256xf32> to vector<32x256xf32>
    %mul3A_160 = arith.mulf %dot_general3A_149, %mul3A_159 : vector<32x256xf32>
    %add3A_161 = arith.addf %mul3A_160, %dot_general3A_154 : vector<32x256xf32>
    %get3A_162 = arith.constant 3 : index
    %get3A_163 = arith.constant 0 : index
    %get3A_164 = arith.constant 0 : index
    %get3A_165 = vector.load %arg2[%get3A_162, %get3A_163, %get3A_164] : memref<8x32x32xf32, #tpu.memory_space<vmem>>, vector<1x32x32xf32>
    %get3A_166 = vector.shape_cast %get3A_165 : vector<1x32x32xf32> to vector<32x32xf32>
    %broadcast_in_dim3A_167 = vector.shape_cast %get3A_166 : vector<32x32xf32> to vector<32x32x1xf32>
    %broadcast_in_dim3A_168 = vector.shape_cast %mul3A_157 : vector<32x256xf32> to vector<1x32x256xf32>
    %mul3A_169 = vector.broadcast %broadcast_in_dim3A_167 : vector<32x32x1xf32> to vector<32x32x256xf32>
    %mul3A_170 = vector.broadcast %broadcast_in_dim3A_168 : vector<1x32x256xf32> to vector<32x32x256xf32>
    %mul3A_171 = arith.mulf %mul3A_169, %mul3A_170 : vector<32x32x256xf32>
    %broadcast_in_dim3A_172 = vector.shape_cast %add3A_161 : vector<32x256xf32> to vector<1x32x256xf32>
    %add3A_173 = vector.broadcast %broadcast_in_dim3A_172 : vector<1x32x256xf32> to vector<32x32x256xf32>
    %add3A_174 = arith.addf %mul3A_171, %add3A_173 : vector<32x32x256xf32>
    %swap3A_175 = arith.constant 3 : index
    %swap3A_176 = arith.constant 0 : index
    %swap3A_177 = arith.constant 0 : index
    %swap3A_178 = arith.constant 0 : index
    %swap3A_179 = vector.load %arg7[%swap3A_175, %swap3A_176, %swap3A_177, %swap3A_178] : memref<8x32x32x256xf32, #tpu.memory_space<vmem>>, vector<1x32x32x256xf32>
    %swap3A_180 = vector.shape_cast %swap3A_179 : vector<1x32x32x256xf32> to vector<32x32x256xf32>
    %swap3A_181 = vector.shape_cast %add3A_174 : vector<32x32x256xf32> to vector<1x32x32x256xf32>
    tpu.vector_store %arg7[%swap3A_175, %swap3A_176, %swap3A_177, %swap3A_178], %swap3A_181 {strides = array<i32>} : memref<8x32x32x256xf32, #tpu.memory_space<vmem>>, vector<1x32x32x256xf32>,
    %slice3A_182 = vector.extract_strided_slice %get3A_2 {offsets = [4, 0], sizes = [1, 32], strides = [1, 1]} : vector<8x32xi32> to vector<1x32xi32>
    %squeeze3A_183 = vector.shape_cast %slice3A_182 : vector<1x32xi32> to vector<32xi32>
    %broadcast_in_dim3A_184 = vector.shape_cast %squeeze3A_183 : vector<32xi32> to vector<32x1xi32>
    %iota3A_185 = tpu.iota {dimensions = array<i32: 1>} : vector<32x32xi32>
    %eq3A_186 = vector.broadcast %broadcast_in_dim3A_184 : vector<32x1xi32> to vector<32x32xi32>
    %eq3A_187 = arith.cmpi eq, %eq3A_186, %iota3A_185 : vector<32x32xi32>
    %convert_element_type3A_188 = arith.extui %eq3A_187 : vector<32x32xi1> to vector<32x32xi32>
    %convert_element_type3A_189 = arith.sitofp %convert_element_type3A_188 : vector<32x32xi32> to vector<32x32xf32>
    %get3A_190 = arith.constant 0 : index
    %get3A_191 = arith.constant 0 : index
    %get3A_192 = vector.load %arg4[%get3A_190, %get3A_191] : memref<32x256xf32, #tpu.memory_space<vmem>>, vector<32x256xf32>
    %dot_general3A_193 = arith.constant dense<0.000000e+00> : vector<32x256xf32>
    %dot_general3A_194 = tpu.matmul %convert_element_type3A_189, %get3A_192, %dot_general3A_193 {dimension_numbers = #tpu.dot_dimension_numbers<[1], [0], [0], [1], [0, 0, 1, 1], [], []>, transpose_lhs_hint = false} : vector<32x32xf32>, vector<32x256xf32>, vector<32x256xf32> -> vector<32x256xf32>
    %get3A_195 = arith.constant 0 : index
    %get3A_196 = arith.constant 0 : index
    %get3A_197 = vector.load %arg3[%get3A_195, %get3A_196] : memref<32x256xf32, #tpu.memory_space<vmem>>, vector<32x256xf32>
    %dot_general3A_198 = arith.constant dense<0.000000e+00> : vector<32x256xf32>
    %dot_general3A_199 = tpu.matmul %convert_element_type3A_189, %get3A_197, %dot_general3A_198 {dimension_numbers = #tpu.dot_dimension_numbers<[1], [0], [0], [1], [0, 0, 1, 1], [], []>, transpose_lhs_hint = false} : vector<32x32xf32>, vector<32x256xf32>, vector<32x256xf32> -> vector<32x256xf32>
    %broadcast_in_dim3A_200 = vector.shape_cast %get3A_6 : vector<256xf32> to vector<1x256xf32>
    %mul3A_201 = vector.broadcast %broadcast_in_dim3A_200 : vector<1x256xf32> to vector<32x256xf32>
    %mul3A_202 = arith.mulf %dot_general3A_194, %mul3A_201 : vector<32x256xf32>
    %broadcast_in_dim3A_203 = vector.shape_cast %get3A_10 : vector<256xf32> to vector<1x256xf32>
    %mul3A_204 = vector.broadcast %broadcast_in_dim3A_203 : vector<1x256xf32> to vector<32x256xf32>
    %mul3A_205 = arith.mulf %dot_general3A_194, %mul3A_204 : vector<32x256xf32>
    %add3A_206 = arith.addf %mul3A_205, %dot_general3A_199 : vector<32x256xf32>
    %get3A_207 = arith.constant 4 : index
    %get3A_208 = arith.constant 0 : index
    %get3A_209 = arith.constant 0 : index
    %get3A_210 = vector.load %arg2[%get3A_207, %get3A_208, %get3A_209] : memref<8x32x32xf32, #tpu.memory_space<vmem>>, vector<1x32x32xf32>
    %get3A_211 = vector.shape_cast %get3A_210 : vector<1x32x32xf32> to vector<32x32xf32>
    %broadcast_in_dim3A_212 = vector.shape_cast %get3A_211 : vector<32x32xf32> to vector<32x32x1xf32>
    %broadcast_in_dim3A_213 = vector.shape_cast %mul3A_202 : vector<32x256xf32> to vector<1x32x256xf32>
    %mul3A_214 = vector.broadcast %broadcast_in_dim3A_212 : vector<32x32x1xf32> to vector<32x32x256xf32>
    %mul3A_215 = vector.broadcast %broadcast_in_dim3A_213 : vector<1x32x256xf32> to vector<32x32x256xf32>
    %mul3A_216 = arith.mulf %mul3A_214, %mul3A_215 : vector<32x32x256xf32>
    %broadcast_in_dim3A_217 = vector.shape_cast %add3A_206 : vector<32x256xf32> to vector<1x32x256xf32>
    %add3A_218 = vector.broadcast %broadcast_in_dim3A_217 : vector<1x32x256xf32> to vector<32x32x256xf32>
    %add3A_219 = arith.addf %mul3A_216, %add3A_218 : vector<32x32x256xf32>
    %swap3A_220 = arith.constant 4 : index
    %swap3A_221 = arith.constant 0 : index
    %swap3A_222 = arith.constant 0 : index
    %swap3A_223 = arith.constant 0 : index
    %swap3A_224 = vector.load %arg7[%swap3A_220, %swap3A_221, %swap3A_222, %swap3A_223] : memref<8x32x32x256xf32, #tpu.memory_space<vmem>>, vector<1x32x32x256xf32>
    %swap3A_225 = vector.shape_cast %swap3A_224 : vector<1x32x32x256xf32> to vector<32x32x256xf32>
    %swap3A_226 = vector.shape_cast %add3A_219 : vector<32x32x256xf32> to vector<1x32x32x256xf32>
    tpu.vector_store %arg7[%swap3A_220, %swap3A_221, %swap3A_222, %swap3A_223], %swap3A_226 {strides = array<i32>} : memref<8x32x32x256xf32, #tpu.memory_space<vmem>>, vector<1x32x32x256xf32>,
    %slice3A_227 = vector.extract_strided_slice %get3A_2 {offsets = [5, 0], sizes = [1, 32], strides = [1, 1]} : vector<8x32xi32> to vector<1x32xi32>
    %squeeze3A_228 = vector.shape_cast %slice3A_227 : vector<1x32xi32> to vector<32xi32>
    %broadcast_in_dim3A_229 = vector.shape_cast %squeeze3A_228 : vector<32xi32> to vector<32x1xi32>
    %iota3A_230 = tpu.iota {dimensions = array<i32: 1>} : vector<32x32xi32>
    %eq3A_231 = vector.broadcast %broadcast_in_dim3A_229 : vector<32x1xi32> to vector<32x32xi32>
    %eq3A_232 = arith.cmpi eq, %eq3A_231, %iota3A_230 : vector<32x32xi32>
    %convert_element_type3A_233 = arith.extui %eq3A_232 : vector<32x32xi1> to vector<32x32xi32>
    %convert_element_type3A_234 = arith.sitofp %convert_element_type3A_233 : vector<32x32xi32> to vector<32x32xf32>
    %get3A_235 = arith.constant 0 : index
    %get3A_236 = arith.constant 0 : index
    %get3A_237 = vector.load %arg4[%get3A_235, %get3A_236] : memref<32x256xf32, #tpu.memory_space<vmem>>, vector<32x256xf32>
    %dot_general3A_238 = arith.constant dense<0.000000e+00> : vector<32x256xf32>
    %dot_general3A_239 = tpu.matmul %convert_element_type3A_234, %get3A_237, %dot_general3A_238 {dimension_numbers = #tpu.dot_dimension_numbers<[1], [0], [0], [1], [0, 0, 1, 1], [], []>, transpose_lhs_hint = false} : vector<32x32xf32>, vector<32x256xf32>, vector<32x256xf32> -> vector<32x256xf32>
    %get3A_240 = arith.constant 0 : index
    %get3A_241 = arith.constant 0 : index
    %get3A_242 = vector.load %arg3[%get3A_240, %get3A_241] : memref<32x256xf32, #tpu.memory_space<vmem>>, vector<32x256xf32>
    %dot_general3A_243 = arith.constant dense<0.000000e+00> : vector<32x256xf32>
    %dot_general3A_244 = tpu.matmul %convert_element_type3A_234, %get3A_242, %dot_general3A_243 {dimension_numbers = #tpu.dot_dimension_numbers<[1], [0], [0], [1], [0, 0, 1, 1], [], []>, transpose_lhs_hint = false} : vector<32x32xf32>, vector<32x256xf32>, vector<32x256xf32> -> vector<32x256xf32>
    %broadcast_in_dim3A_245 = vector.shape_cast %get3A_6 : vector<256xf32> to vector<1x256xf32>
    %mul3A_246 = vector.broadcast %broadcast_in_dim3A_245 : vector<1x256xf32> to vector<32x256xf32>
    %mul3A_247 = arith.mulf %dot_general3A_239, %mul3A_246 : vector<32x256xf32>
    %broadcast_in_dim3A_248 = vector.shape_cast %get3A_10 : vector<256xf32> to vector<1x256xf32>
    %mul3A_249 = vector.broadcast %broadcast_in_dim3A_248 : vector<1x256xf32> to vector<32x256xf32>
    %mul3A_250 = arith.mulf %dot_general3A_239, %mul3A_249 : vector<32x256xf32>
    %add3A_251 = arith.addf %mul3A_250, %dot_general3A_244 : vector<32x256xf32>
    %get3A_252 = arith.constant 5 : index
    %get3A_253 = arith.constant 0 : index
    %get3A_254 = arith.constant 0 : index
    %get3A_255 = vector.load %arg2[%get3A_252, %get3A_253, %get3A_254] : memref<8x32x32xf32, #tpu.memory_space<vmem>>, vector<1x32x32xf32>
    %get3A_256 = vector.shape_cast %get3A_255 : vector<1x32x32xf32> to vector<32x32xf32>
    %broadcast_in_dim3A_257 = vector.shape_cast %get3A_256 : vector<32x32xf32> to vector<32x32x1xf32>
    %broadcast_in_dim3A_258 = vector.shape_cast %mul3A_247 : vector<32x256xf32> to vector<1x32x256xf32>
    %mul3A_259 = vector.broadcast %broadcast_in_dim3A_257 : vector<32x32x1xf32> to vector<32x32x256xf32>
    %mul3A_260 = vector.broadcast %broadcast_in_dim3A_258 : vector<1x32x256xf32> to vector<32x32x256xf32>
    %mul3A_261 = arith.mulf %mul3A_259, %mul3A_260 : vector<32x32x256xf32>
    %broadcast_in_dim3A_262 = vector.shape_cast %add3A_251 : vector<32x256xf32> to vector<1x32x256xf32>
    %add3A_263 = vector.broadcast %broadcast_in_dim3A_262 : vector<1x32x256xf32> to vector<32x32x256xf32>
    %add3A_264 = arith.addf %mul3A_261, %add3A_263 : vector<32x32x256xf32>
    %swap3A_265 = arith.constant 5 : index
    %swap3A_266 = arith.constant 0 : index
    %swap3A_267 = arith.constant 0 : index
    %swap3A_268 = arith.constant 0 : index
    %swap3A_269 = vector.load %arg7[%swap3A_265, %swap3A_266, %swap3A_267, %swap3A_268] : memref<8x32x32x256xf32, #tpu.memory_space<vmem>>, vector<1x32x32x256xf32>
    %swap3A_270 = vector.shape_cast %swap3A_269 : vector<1x32x32x256xf32> to vector<32x32x256xf32>
    %swap3A_271 = vector.shape_cast %add3A_264 : vector<32x32x256xf32> to vector<1x32x32x256xf32>
    tpu.vector_store %arg7[%swap3A_265, %swap3A_266, %swap3A_267, %swap3A_268], %swap3A_271 {strides = array<i32>} : memref<8x32x32x256xf32, #tpu.memory_space<vmem>>, vector<1x32x32x256xf32>,
    %slice3A_272 = vector.extract_strided_slice %get3A_2 {offsets = [6, 0], sizes = [1, 32], strides = [1, 1]} : vector<8x32xi32> to vector<1x32xi32>
    %squeeze3A_273 = vector.shape_cast %slice3A_272 : vector<1x32xi32> to vector<32xi32>
    %broadcast_in_dim3A_274 = vector.shape_cast %squeeze3A_273 : vector<32xi32> to vector<32x1xi32>
    %iota3A_275 = tpu.iota {dimensions = array<i32: 1>} : vector<32x32xi32>
    %eq3A_276 = vector.broadcast %broadcast_in_dim3A_274 : vector<32x1xi32> to vector<32x32xi32>
    %eq3A_277 = arith.cmpi eq, %eq3A_276, %iota3A_275 : vector<32x32xi32>
    %convert_element_type3A_278 = arith.extui %eq3A_277 : vector<32x32xi1> to vector<32x32xi32>
    %convert_element_type3A_279 = arith.sitofp %convert_element_type3A_278 : vector<32x32xi32> to vector<32x32xf32>
    %get3A_280 = arith.constant 0 : index
    %get3A_281 = arith.constant 0 : index
    %get3A_282 = vector.load %arg4[%get3A_280, %get3A_281] : memref<32x256xf32, #tpu.memory_space<vmem>>, vector<32x256xf32>
    %dot_general3A_283 = arith.constant dense<0.000000e+00> : vector<32x256xf32>
    %dot_general3A_284 = tpu.matmul %convert_element_type3A_279, %get3A_282, %dot_general3A_283 {dimension_numbers = #tpu.dot_dimension_numbers<[1], [0], [0], [1], [0, 0, 1, 1], [], []>, transpose_lhs_hint = false} : vector<32x32xf32>, vector<32x256xf32>, vector<32x256xf32> -> vector<32x256xf32>
    %get3A_285 = arith.constant 0 : index
    %get3A_286 = arith.constant 0 : index
    %get3A_287 = vector.load %arg3[%get3A_285, %get3A_286] : memref<32x256xf32, #tpu.memory_space<vmem>>, vector<32x256xf32>
    %dot_general3A_288 = arith.constant dense<0.000000e+00> : vector<32x256xf32>
    %dot_general3A_289 = tpu.matmul %convert_element_type3A_279, %get3A_287, %dot_general3A_288 {dimension_numbers = #tpu.dot_dimension_numbers<[1], [0], [0], [1], [0, 0, 1, 1], [], []>, transpose_lhs_hint = false} : vector<32x32xf32>, vector<32x256xf32>, vector<32x256xf32> -> vector<32x256xf32>
    %broadcast_in_dim3A_290 = vector.shape_cast %get3A_6 : vector<256xf32> to vector<1x256xf32>
    %mul3A_291 = vector.broadcast %broadcast_in_dim3A_290 : vector<1x256xf32> to vector<32x256xf32>
    %mul3A_292 = arith.mulf %dot_general3A_284, %mul3A_291 : vector<32x256xf32>
    %broadcast_in_dim3A_293 = vector.shape_cast %get3A_10 : vector<256xf32> to vector<1x256xf32>
    %mul3A_294 = vector.broadcast %broadcast_in_dim3A_293 : vector<1x256xf32> to vector<32x256xf32>
    %mul3A_295 = arith.mulf %dot_general3A_284, %mul3A_294 : vector<32x256xf32>
    %add3A_296 = arith.addf %mul3A_295, %dot_general3A_289 : vector<32x256xf32>
    %get3A_297 = arith.constant 6 : index
    %get3A_298 = arith.constant 0 : index
    %get3A_299 = arith.constant 0 : index
    %get3A_300 = vector.load %arg2[%get3A_297, %get3A_298, %get3A_299] : memref<8x32x32xf32, #tpu.memory_space<vmem>>, vector<1x32x32xf32>
    %get3A_301 = vector.shape_cast %get3A_300 : vector<1x32x32xf32> to vector<32x32xf32>
    %broadcast_in_dim3A_302 = vector.shape_cast %get3A_301 : vector<32x32xf32> to vector<32x32x1xf32>
    %broadcast_in_dim3A_303 = vector.shape_cast %mul3A_292 : vector<32x256xf32> to vector<1x32x256xf32>
    %mul3A_304 = vector.broadcast %broadcast_in_dim3A_302 : vector<32x32x1xf32> to vector<32x32x256xf32>
    %mul3A_305 = vector.broadcast %broadcast_in_dim3A_303 : vector<1x32x256xf32> to vector<32x32x256xf32>
    %mul3A_306 = arith.mulf %mul3A_304, %mul3A_305 : vector<32x32x256xf32>
    %broadcast_in_dim3A_307 = vector.shape_cast %add3A_296 : vector<32x256xf32> to vector<1x32x256xf32>
    %add3A_308 = vector.broadcast %broadcast_in_dim3A_307 : vector<1x32x256xf32> to vector<32x32x256xf32>
    %add3A_309 = arith.addf %mul3A_306, %add3A_308 : vector<32x32x256xf32>
    %swap3A_310 = arith.constant 6 : index
    %swap3A_311 = arith.constant 0 : index
    %swap3A_312 = arith.constant 0 : index
    %swap3A_313 = arith.constant 0 : index
    %swap3A_314 = vector.load %arg7[%swap3A_310, %swap3A_311, %swap3A_312, %swap3A_313] : memref<8x32x32x256xf32, #tpu.memory_space<vmem>>, vector<1x32x32x256xf32>
    %swap3A_315 = vector.shape_cast %swap3A_314 : vector<1x32x32x256xf32> to vector<32x32x256xf32>
    %swap3A_316 = vector.shape_cast %add3A_309 : vector<32x32x256xf32> to vector<1x32x32x256xf32>
    tpu.vector_store %arg7[%swap3A_310, %swap3A_311, %swap3A_312, %swap3A_313], %swap3A_316 {strides = array<i32>} : memref<8x32x32x256xf32, #tpu.memory_space<vmem>>, vector<1x32x32x256xf32>,
    %slice3A_317 = vector.extract_strided_slice %get3A_2 {offsets = [7, 0], sizes = [1, 32], strides = [1, 1]} : vector<8x32xi32> to vector<1x32xi32>
    %squeeze3A_318 = vector.shape_cast %slice3A_317 : vector<1x32xi32> to vector<32xi32>
    %broadcast_in_dim3A_319 = vector.shape_cast %squeeze3A_318 : vector<32xi32> to vector<32x1xi32>
    %iota3A_320 = tpu.iota {dimensions = array<i32: 1>} : vector<32x32xi32>
    %eq3A_321 = vector.broadcast %broadcast_in_dim3A_319 : vector<32x1xi32> to vector<32x32xi32>
    %eq3A_322 = arith.cmpi eq, %eq3A_321, %iota3A_320 : vector<32x32xi32>
    %convert_element_type3A_323 = arith.extui %eq3A_322 : vector<32x32xi1> to vector<32x32xi32>
    %convert_element_type3A_324 = arith.sitofp %convert_element_type3A_323 : vector<32x32xi32> to vector<32x32xf32>
    %get3A_325 = arith.constant 0 : index
    %get3A_326 = arith.constant 0 : index
    %get3A_327 = vector.load %arg4[%get3A_325, %get3A_326] : memref<32x256xf32, #tpu.memory_space<vmem>>, vector<32x256xf32>
    %dot_general3A_328 = arith.constant dense<0.000000e+00> : vector<32x256xf32>
    %dot_general3A_329 = tpu.matmul %convert_element_type3A_324, %get3A_327, %dot_general3A_328 {dimension_numbers = #tpu.dot_dimension_numbers<[1], [0], [0], [1], [0, 0, 1, 1], [], []>, transpose_lhs_hint = false} : vector<32x32xf32>, vector<32x256xf32>, vector<32x256xf32> -> vector<32x256xf32>
    %get3A_330 = arith.constant 0 : index
    %get3A_331 = arith.constant 0 : index
    %get3A_332 = vector.load %arg3[%get3A_330, %get3A_331] : memref<32x256xf32, #tpu.memory_space<vmem>>, vector<32x256xf32>
    %dot_general3A_333 = arith.constant dense<0.000000e+00> : vector<32x256xf32>
    %dot_general3A_334 = tpu.matmul %convert_element_type3A_324, %get3A_332, %dot_general3A_333 {dimension_numbers = #tpu.dot_dimension_numbers<[1], [0], [0], [1], [0, 0, 1, 1], [], []>, transpose_lhs_hint = false} : vector<32x32xf32>, vector<32x256xf32>, vector<32x256xf32> -> vector<32x256xf32>
    %broadcast_in_dim3A_335 = vector.shape_cast %get3A_6 : vector<256xf32> to vector<1x256xf32>
    %mul3A_336 = vector.broadcast %broadcast_in_dim3A_335 : vector<1x256xf32> to vector<32x256xf32>
    %mul3A_337 = arith.mulf %dot_general3A_329, %mul3A_336 : vector<32x256xf32>
    %broadcast_in_dim3A_338 = vector.shape_cast %get3A_10 : vector<256xf32> to vector<1x256xf32>
    %mul3A_339 = vector.broadcast %broadcast_in_dim3A_338 : vector<1x256xf32> to vector<32x256xf32>
    %mul3A_340 = arith.mulf %dot_general3A_329, %mul3A_339 : vector<32x256xf32>
    %add3A_341 = arith.addf %mul3A_340, %dot_general3A_334 : vector<32x256xf32>
    %get3A_342 = arith.constant 7 : index
    %get3A_343 = arith.constant 0 : index
    %get3A_344 = arith.constant 0 : index
    %get3A_345 = vector.load %arg2[%get3A_342, %get3A_343, %get3A_344] : memref<8x32x32xf32, #tpu.memory_space<vmem>>, vector<1x32x32xf32>
    %get3A_346 = vector.shape_cast %get3A_345 : vector<1x32x32xf32> to vector<32x32xf32>
    %broadcast_in_dim3A_347 = vector.shape_cast %get3A_346 : vector<32x32xf32> to vector<32x32x1xf32>
    %broadcast_in_dim3A_348 = vector.shape_cast %mul3A_337 : vector<32x256xf32> to vector<1x32x256xf32>
    %mul3A_349 = vector.broadcast %broadcast_in_dim3A_347 : vector<32x32x1xf32> to vector<32x32x256xf32>
    %mul3A_350 = vector.broadcast %broadcast_in_dim3A_348 : vector<1x32x256xf32> to vector<32x32x256xf32>
    %mul3A_351 = arith.mulf %mul3A_349, %mul3A_350 : vector<32x32x256xf32>
    %broadcast_in_dim3A_352 = vector.shape_cast %add3A_341 : vector<32x256xf32> to vector<1x32x256xf32>
    %add3A_353 = vector.broadcast %broadcast_in_dim3A_352 : vector<1x32x256xf32> to vector<32x32x256xf32>
    %add3A_354 = arith.addf %mul3A_351, %add3A_353 : vector<32x32x256xf32>
    %swap3A_355 = arith.constant 7 : index
    %swap3A_356 = arith.constant 0 : index
    %swap3A_357 = arith.constant 0 : index
    %swap3A_358 = arith.constant 0 : index
    %swap3A_359 = vector.load %arg7[%swap3A_355, %swap3A_356, %swap3A_357, %swap3A_358] : memref<8x32x32x256xf32, #tpu.memory_space<vmem>>, vector<1x32x32x256xf32>
    %swap3A_360 = vector.shape_cast %swap3A_359 : vector<1x32x32x256xf32> to vector<32x32x256xf32>
    %swap3A_361 = vector.shape_cast %add3A_354 : vector<32x32x256xf32> to vector<1x32x32x256xf32>
    tpu.vector_store %arg7[%swap3A_355, %swap3A_356, %swap3A_357, %swap3A_358], %swap3A_361 {strides = array<i32>} : memref<8x32x32x256xf32, #tpu.memory_space<vmem>>, vector<1x32x32x256xf32>,
    %ne3A = arith.constant 0 : i32
    %ne3A_362 = vector.broadcast %ne3A : i32 to vector<8x32xi32>
    %ne3A_363 = arith.cmpi ne, %get3A_2, %ne3A_362 : vector<8x32xi32>
    %broadcast_in_dim3A_364 = vector.shape_cast %ne3A_363 : vector<8x32xi1> to vector<8x1x32xi1>
    %broadcast_in_dim3A_365 = vector.shape_cast %broadcast_in_dim3A_364 : vector<8x1x32xi1> to vector<8x1x32xi1>
    %broadcast_in_dim3A_366 = vector.broadcast %broadcast_in_dim3A_365 : vector<8x1x32xi1> to vector<8x32x32xi1>
    %swap3A_367 = arith.constant 0 : index
    %swap3A_368 = arith.constant 0 : index
    %swap3A_369 = arith.constant 0 : index
    %swap3A_370 = vector.load %arg8[%swap3A_367, %swap3A_368, %swap3A_369] : memref<8x32x32xi32, #tpu.memory_space<vmem>>, vector<8x32x32xi32>
    %swap3A_371 = arith.extui %broadcast_in_dim3A_366 : vector<8x32x32xi1> to vector<8x32x32xi32>
    %swap3A_372 = arith.constant dense<0> : vector<8x32x32xi32>
    %swap3A_373 = arith.cmpi ne, %swap3A_370, %swap3A_372 : vector<8x32x32xi32>
    tpu.vector_store %arg8[%swap3A_367, %swap3A_368, %swap3A_369], %swap3A_371 {strides = array<i32>} : memref<8x32x32xi32, #tpu.memory_space<vmem>>, vector<8x32x32xi32>,
    return
  }
  func.func @transform_0(%arg0: i32) -> (i32, i32) {
    %c0_i32 = arith.constant 0 : i32
    %c0_i32_0 = arith.constant 0 : i32
    %c0_i32_1 = arith.constant 0 : i32
    return %c0_i32, %c0_i32_0 : i32, i32
  }
  func.func @transform_1(%arg0: i32) -> (i32, i32, i32) {
    %c0_i32 = arith.constant 0 : i32
    %c0_i32_0 = arith.constant 0 : i32
    %c0_i32_1 = arith.constant 0 : i32
    return %arg0, %c0_i32, %c0_i32_0 : i32, i32, i32
  }
  func.func @transform_2(%arg0: i32) -> (i32, i32) {
    %c0_i32 = arith.constant 0 : i32
    %c0_i32_0 = arith.constant 0 : i32
    %c0_i32_1 = arith.constant 0 : i32
    return %c0_i32, %c0_i32_0 : i32, i32
  }
  func.func @transform_3(%arg0: i32) -> (i32, i32) {
    %c0_i32 = arith.constant 0 : i32
    %c0_i32_0 = arith.constant 0 : i32
    %c0_i32_1 = arith.constant 0 : i32
    return %c0_i32, %c0_i32_0 : i32, i32
  }
  func.func @transform_4(%arg0: i32) -> (i32, i32) {
    %c0_i32 = arith.constant 0 : i32
    %c0_i32_0 = arith.constant 0 : i32
    %c0_i32_1 = arith.constant 0 : i32
    return %c0_i32, %c0_i32_0 : i32, i32
  }
  func.func @transform_5(%arg0: i32) -> (i32, i32) {
    %c0_i32 = arith.constant 0 : i32
    %c0_i32_0 = arith.constant 0 : i32
    %c0_i32_1 = arith.constant 0 : i32
    return %c0_i32, %c0_i32_0 : i32, i32
  }
  func.func @transform_6(%arg0: i32) -> (i32, i32, i32, i32) {
    %c0_i32 = arith.constant 0 : i32
    %c0_i32_0 = arith.constant 0 : i32
    %c0_i32_1 = arith.constant 0 : i32
    %c0_i32_2 = arith.constant 0 : i32
    return %arg0, %c0_i32, %c0_i32_0, %c0_i32_1 : i32, i32, i32, i32
  }
  func.func @transform_7(%arg0: i32) -> (i32, i32, i32) {
    %c0_i32 = arith.constant 0 : i32
    %c0_i32_0 = arith.constant 0 : i32
    %c0_i32_1 = arith.constant 0 : i32
    return %arg0, %c0_i32, %c0_i32_0 : i32, i32, i32
  }
}

module attributes {stable_mosaic.version = 14 : i64} {
  func.func @_tc2_body(%arg0: i32, %arg1: memref<128x32x32x256xf32, #tpu.memory_space<any>>, %arg2: memref<128x32x32xi32, #tpu.memory_space<any>>, %arg3: memref<128x32xi32, #tpu.memory_space<vmem>>, %arg4: memref<8x32x32xf32, #tpu.memory_space<vmem>>, %arg5: memref<8x32x256xf32, #tpu.memory_space<vmem>>, %arg6: memref<8x32x256xf32, #tpu.memory_space<vmem>>, %arg7: memref<1x256xf32, #tpu.memory_space<vmem>>, %arg8: memref<1x256xf32, #tpu.memory_space<vmem>>, %arg9: memref<8x32x32x256xf32, #tpu.memory_space<vmem>>, %arg10: memref<8x32x32xi32, #tpu.memory_space<vmem>>) attributes {dimension_semantics = [#tpu.dimension_semantics<arbitrary>], iteration_bounds = array<i64: 8>, scalar_prefetch = 0 : i64, scratch_operands = 0 : i64, tpu.core_type = #tpu.core_type<tc>, window_params = [{}, {}, {pipeline_mode = #tpu.pipeline_mode<synchronous>, transform_indices = @transform_2, window_bounds = array<i64: 128, 32>}, {transform_indices = @transform_3, window_bounds = array<i64: 8, 32, 32>}, {transform_indices = @transform_4, window_bounds = array<i64: 8, 32, 256>}, {transform_indices = @transform_5, window_bounds = array<i64: 8, 32, 256>}, {pipeline_mode = #tpu.pipeline_mode<synchronous>, transform_indices = @transform_6, window_bounds = array<i64: 1, 256>}, {pipeline_mode = #tpu.pipeline_mode<synchronous>, transform_indices = @transform_7, window_bounds = array<i64: 1, 256>}, {transform_indices = @transform_8, window_bounds = array<i64: 8, 32, 32, 256>}, {transform_indices = @transform_9, window_bounds = array<i64: 8, 32, 32>}]} {
    %add3A = arith.constant 8 : i32
    %add3A_0 = arith.addi %arg0, %add3A : i32
    %mul3A = arith.constant 8 : i32
    %mul3A_1 = arith.muli %add3A_0, %mul3A : i32
    %get3A = arith.index_cast %mul3A_1 : i32 to index
    %get3A_2 = arith.constant 0 : index
    %get3A_3 = vector.load %arg3[%get3A, %get3A_2] : memref<128x32xi32, #tpu.memory_space<vmem>>, vector<8x32xi32>
    %get3A_4 = arith.constant 0 : index
    %get3A_5 = arith.constant 0 : index
    %get3A_6 = vector.load %arg7[%get3A_4, %get3A_5] : memref<1x256xf32, #tpu.memory_space<vmem>>, vector<1x256xf32>
    %get3A_7 = vector.shape_cast %get3A_6 : vector<1x256xf32> to vector<256xf32>
    %get3A_8 = arith.constant 0 : index
    %get3A_9 = arith.constant 0 : index
    %get3A_10 = vector.load %arg8[%get3A_8, %get3A_9] : memref<1x256xf32, #tpu.memory_space<vmem>>, vector<1x256xf32>
    %get3A_11 = vector.shape_cast %get3A_10 : vector<1x256xf32> to vector<256xf32>
    %get3A_12 = arith.constant 0 : index
    %get3A_13 = arith.constant 0 : index
    %get3A_14 = arith.constant 0 : index
    %get3A_15 = vector.load %arg6[%get3A_12, %get3A_13, %get3A_14] : memref<8x32x256xf32, #tpu.memory_space<vmem>>, vector<1x32x256xf32>
    %get3A_16 = vector.shape_cast %get3A_15 : vector<1x32x256xf32> to vector<32x256xf32>
    %get3A_17 = arith.constant 0 : index
    %get3A_18 = arith.constant 0 : index
    %get3A_19 = arith.constant 0 : index
    %get3A_20 = vector.load %arg5[%get3A_17, %get3A_18, %get3A_19] : memref<8x32x256xf32, #tpu.memory_space<vmem>>, vector<1x32x256xf32>
    %get3A_21 = vector.shape_cast %get3A_20 : vector<1x32x256xf32> to vector<32x256xf32>
    %broadcast_in_dim3A = vector.shape_cast %get3A_7 : vector<256xf32> to vector<1x256xf32>
    %mul3A_22 = vector.broadcast %broadcast_in_dim3A : vector<1x256xf32> to vector<32x256xf32>
    %mul3A_23 = arith.mulf %get3A_16, %mul3A_22 : vector<32x256xf32>
    %broadcast_in_dim3A_24 = vector.shape_cast %get3A_11 : vector<256xf32> to vector<1x256xf32>
    %mul3A_25 = vector.broadcast %broadcast_in_dim3A_24 : vector<1x256xf32> to vector<32x256xf32>
    %mul3A_26 = arith.mulf %get3A_16, %mul3A_25 : vector<32x256xf32>
    %add3A_27 = arith.addf %mul3A_26, %get3A_21 : vector<32x256xf32>
    %get3A_28 = arith.constant 0 : index
    %get3A_29 = arith.constant 0 : index
    %get3A_30 = arith.constant 0 : index
    %get3A_31 = vector.load %arg4[%get3A_28, %get3A_29, %get3A_30] : memref<8x32x32xf32, #tpu.memory_space<vmem>>, vector<1x32x32xf32>
    %get3A_32 = vector.shape_cast %get3A_31 : vector<1x32x32xf32> to vector<32x32xf32>
    %broadcast_in_dim3A_33 = vector.shape_cast %get3A_32 : vector<32x32xf32> to vector<32x32x1xf32>
    %broadcast_in_dim3A_34 = vector.shape_cast %mul3A_23 : vector<32x256xf32> to vector<1x32x256xf32>
    %mul3A_35 = vector.broadcast %broadcast_in_dim3A_33 : vector<32x32x1xf32> to vector<32x32x256xf32>
    %mul3A_36 = vector.broadcast %broadcast_in_dim3A_34 : vector<1x32x256xf32> to vector<32x32x256xf32>
    %mul3A_37 = arith.mulf %mul3A_35, %mul3A_36 : vector<32x32x256xf32>
    %broadcast_in_dim3A_38 = vector.shape_cast %add3A_27 : vector<32x256xf32> to vector<1x32x256xf32>
    %add3A_39 = vector.broadcast %broadcast_in_dim3A_38 : vector<1x32x256xf32> to vector<32x32x256xf32>
    %add3A_40 = arith.addf %mul3A_37, %add3A_39 : vector<32x32x256xf32>
    %swap3A = arith.constant 0 : index
    %swap3A_41 = arith.constant 0 : index
    %swap3A_42 = arith.constant 0 : index
    %swap3A_43 = arith.constant 0 : index
    %swap3A_44 = vector.load %arg9[%swap3A, %swap3A_41, %swap3A_42, %swap3A_43] : memref<8x32x32x256xf32, #tpu.memory_space<vmem>>, vector<1x32x32x256xf32>
    %swap3A_45 = vector.shape_cast %swap3A_44 : vector<1x32x32x256xf32> to vector<32x32x256xf32>
    %swap3A_46 = vector.shape_cast %add3A_40 : vector<32x32x256xf32> to vector<1x32x32x256xf32>
    tpu.vector_store %arg9[%swap3A, %swap3A_41, %swap3A_42, %swap3A_43], %swap3A_46 {strides = array<i32>} : memref<8x32x32x256xf32, #tpu.memory_space<vmem>>, vector<1x32x32x256xf32>,
    %get3A_47 = arith.constant 1 : index
    %get3A_48 = arith.constant 0 : index
    %get3A_49 = arith.constant 0 : index
    %get3A_50 = vector.load %arg6[%get3A_47, %get3A_48, %get3A_49] : memref<8x32x256xf32, #tpu.memory_space<vmem>>, vector<1x32x256xf32>
    %get3A_51 = vector.shape_cast %get3A_50 : vector<1x32x256xf32> to vector<32x256xf32>
    %get3A_52 = arith.constant 1 : index
    %get3A_53 = arith.constant 0 : index
    %get3A_54 = arith.constant 0 : index
    %get3A_55 = vector.load %arg5[%get3A_52, %get3A_53, %get3A_54] : memref<8x32x256xf32, #tpu.memory_space<vmem>>, vector<1x32x256xf32>
    %get3A_56 = vector.shape_cast %get3A_55 : vector<1x32x256xf32> to vector<32x256xf32>
    %broadcast_in_dim3A_57 = vector.shape_cast %get3A_7 : vector<256xf32> to vector<1x256xf32>
    %mul3A_58 = vector.broadcast %broadcast_in_dim3A_57 : vector<1x256xf32> to vector<32x256xf32>
    %mul3A_59 = arith.mulf %get3A_51, %mul3A_58 : vector<32x256xf32>
    %broadcast_in_dim3A_60 = vector.shape_cast %get3A_11 : vector<256xf32> to vector<1x256xf32>
    %mul3A_61 = vector.broadcast %broadcast_in_dim3A_60 : vector<1x256xf32> to vector<32x256xf32>
    %mul3A_62 = arith.mulf %get3A_51, %mul3A_61 : vector<32x256xf32>
    %add3A_63 = arith.addf %mul3A_62, %get3A_56 : vector<32x256xf32>
    %get3A_64 = arith.constant 1 : index
    %get3A_65 = arith.constant 0 : index
    %get3A_66 = arith.constant 0 : index
    %get3A_67 = vector.load %arg4[%get3A_64, %get3A_65, %get3A_66] : memref<8x32x32xf32, #tpu.memory_space<vmem>>, vector<1x32x32xf32>
    %get3A_68 = vector.shape_cast %get3A_67 : vector<1x32x32xf32> to vector<32x32xf32>
    %broadcast_in_dim3A_69 = vector.shape_cast %get3A_68 : vector<32x32xf32> to vector<32x32x1xf32>
    %broadcast_in_dim3A_70 = vector.shape_cast %mul3A_59 : vector<32x256xf32> to vector<1x32x256xf32>
    %mul3A_71 = vector.broadcast %broadcast_in_dim3A_69 : vector<32x32x1xf32> to vector<32x32x256xf32>
    %mul3A_72 = vector.broadcast %broadcast_in_dim3A_70 : vector<1x32x256xf32> to vector<32x32x256xf32>
    %mul3A_73 = arith.mulf %mul3A_71, %mul3A_72 : vector<32x32x256xf32>
    %broadcast_in_dim3A_74 = vector.shape_cast %add3A_63 : vector<32x256xf32> to vector<1x32x256xf32>
    %add3A_75 = vector.broadcast %broadcast_in_dim3A_74 : vector<1x32x256xf32> to vector<32x32x256xf32>
    %add3A_76 = arith.addf %mul3A_73, %add3A_75 : vector<32x32x256xf32>
    %swap3A_77 = arith.constant 1 : index
    %swap3A_78 = arith.constant 0 : index
    %swap3A_79 = arith.constant 0 : index
    %swap3A_80 = arith.constant 0 : index
    %swap3A_81 = vector.load %arg9[%swap3A_77, %swap3A_78, %swap3A_79, %swap3A_80] : memref<8x32x32x256xf32, #tpu.memory_space<vmem>>, vector<1x32x32x256xf32>
    %swap3A_82 = vector.shape_cast %swap3A_81 : vector<1x32x32x256xf32> to vector<32x32x256xf32>
    %swap3A_83 = vector.shape_cast %add3A_76 : vector<32x32x256xf32> to vector<1x32x32x256xf32>
    tpu.vector_store %arg9[%swap3A_77, %swap3A_78, %swap3A_79, %swap3A_80], %swap3A_83 {strides = array<i32>} : memref<8x32x32x256xf32, #tpu.memory_space<vmem>>, vector<1x32x32x256xf32>,
    %get3A_84 = arith.constant 2 : index
    %get3A_85 = arith.constant 0 : index
    %get3A_86 = arith.constant 0 : index
    %get3A_87 = vector.load %arg6[%get3A_84, %get3A_85, %get3A_86] : memref<8x32x256xf32, #tpu.memory_space<vmem>>, vector<1x32x256xf32>
    %get3A_88 = vector.shape_cast %get3A_87 : vector<1x32x256xf32> to vector<32x256xf32>
    %get3A_89 = arith.constant 2 : index
    %get3A_90 = arith.constant 0 : index
    %get3A_91 = arith.constant 0 : index
    %get3A_92 = vector.load %arg5[%get3A_89, %get3A_90, %get3A_91] : memref<8x32x256xf32, #tpu.memory_space<vmem>>, vector<1x32x256xf32>
    %get3A_93 = vector.shape_cast %get3A_92 : vector<1x32x256xf32> to vector<32x256xf32>
    %broadcast_in_dim3A_94 = vector.shape_cast %get3A_7 : vector<256xf32> to vector<1x256xf32>
    %mul3A_95 = vector.broadcast %broadcast_in_dim3A_94 : vector<1x256xf32> to vector<32x256xf32>
    %mul3A_96 = arith.mulf %get3A_88, %mul3A_95 : vector<32x256xf32>
    %broadcast_in_dim3A_97 = vector.shape_cast %get3A_11 : vector<256xf32> to vector<1x256xf32>
    %mul3A_98 = vector.broadcast %broadcast_in_dim3A_97 : vector<1x256xf32> to vector<32x256xf32>
    %mul3A_99 = arith.mulf %get3A_88, %mul3A_98 : vector<32x256xf32>
    %add3A_100 = arith.addf %mul3A_99, %get3A_93 : vector<32x256xf32>
    %get3A_101 = arith.constant 2 : index
    %get3A_102 = arith.constant 0 : index
    %get3A_103 = arith.constant 0 : index
    %get3A_104 = vector.load %arg4[%get3A_101, %get3A_102, %get3A_103] : memref<8x32x32xf32, #tpu.memory_space<vmem>>, vector<1x32x32xf32>
    %get3A_105 = vector.shape_cast %get3A_104 : vector<1x32x32xf32> to vector<32x32xf32>
    %broadcast_in_dim3A_106 = vector.shape_cast %get3A_105 : vector<32x32xf32> to vector<32x32x1xf32>
    %broadcast_in_dim3A_107 = vector.shape_cast %mul3A_96 : vector<32x256xf32> to vector<1x32x256xf32>
    %mul3A_108 = vector.broadcast %broadcast_in_dim3A_106 : vector<32x32x1xf32> to vector<32x32x256xf32>
    %mul3A_109 = vector.broadcast %broadcast_in_dim3A_107 : vector<1x32x256xf32> to vector<32x32x256xf32>
    %mul3A_110 = arith.mulf %mul3A_108, %mul3A_109 : vector<32x32x256xf32>
    %broadcast_in_dim3A_111 = vector.shape_cast %add3A_100 : vector<32x256xf32> to vector<1x32x256xf32>
    %add3A_112 = vector.broadcast %broadcast_in_dim3A_111 : vector<1x32x256xf32> to vector<32x32x256xf32>
    %add3A_113 = arith.addf %mul3A_110, %add3A_112 : vector<32x32x256xf32>
    %swap3A_114 = arith.constant 2 : index
    %swap3A_115 = arith.constant 0 : index
    %swap3A_116 = arith.constant 0 : index
    %swap3A_117 = arith.constant 0 : index
    %swap3A_118 = vector.load %arg9[%swap3A_114, %swap3A_115, %swap3A_116, %swap3A_117] : memref<8x32x32x256xf32, #tpu.memory_space<vmem>>, vector<1x32x32x256xf32>
    %swap3A_119 = vector.shape_cast %swap3A_118 : vector<1x32x32x256xf32> to vector<32x32x256xf32>
    %swap3A_120 = vector.shape_cast %add3A_113 : vector<32x32x256xf32> to vector<1x32x32x256xf32>
    tpu.vector_store %arg9[%swap3A_114, %swap3A_115, %swap3A_116, %swap3A_117], %swap3A_120 {strides = array<i32>} : memref<8x32x32x256xf32, #tpu.memory_space<vmem>>, vector<1x32x32x256xf32>,
    %get3A_121 = arith.constant 3 : index
    %get3A_122 = arith.constant 0 : index
    %get3A_123 = arith.constant 0 : index
    %get3A_124 = vector.load %arg6[%get3A_121, %get3A_122, %get3A_123] : memref<8x32x256xf32, #tpu.memory_space<vmem>>, vector<1x32x256xf32>
    %get3A_125 = vector.shape_cast %get3A_124 : vector<1x32x256xf32> to vector<32x256xf32>
    %get3A_126 = arith.constant 3 : index
    %get3A_127 = arith.constant 0 : index
    %get3A_128 = arith.constant 0 : index
    %get3A_129 = vector.load %arg5[%get3A_126, %get3A_127, %get3A_128] : memref<8x32x256xf32, #tpu.memory_space<vmem>>, vector<1x32x256xf32>
    %get3A_130 = vector.shape_cast %get3A_129 : vector<1x32x256xf32> to vector<32x256xf32>
    %broadcast_in_dim3A_131 = vector.shape_cast %get3A_7 : vector<256xf32> to vector<1x256xf32>
    %mul3A_132 = vector.broadcast %broadcast_in_dim3A_131 : vector<1x256xf32> to vector<32x256xf32>
    %mul3A_133 = arith.mulf %get3A_125, %mul3A_132 : vector<32x256xf32>
    %broadcast_in_dim3A_134 = vector.shape_cast %get3A_11 : vector<256xf32> to vector<1x256xf32>
    %mul3A_135 = vector.broadcast %broadcast_in_dim3A_134 : vector<1x256xf32> to vector<32x256xf32>
    %mul3A_136 = arith.mulf %get3A_125, %mul3A_135 : vector<32x256xf32>
    %add3A_137 = arith.addf %mul3A_136, %get3A_130 : vector<32x256xf32>
    %get3A_138 = arith.constant 3 : index
    %get3A_139 = arith.constant 0 : index
    %get3A_140 = arith.constant 0 : index
    %get3A_141 = vector.load %arg4[%get3A_138, %get3A_139, %get3A_140] : memref<8x32x32xf32, #tpu.memory_space<vmem>>, vector<1x32x32xf32>
    %get3A_142 = vector.shape_cast %get3A_141 : vector<1x32x32xf32> to vector<32x32xf32>
    %broadcast_in_dim3A_143 = vector.shape_cast %get3A_142 : vector<32x32xf32> to vector<32x32x1xf32>
    %broadcast_in_dim3A_144 = vector.shape_cast %mul3A_133 : vector<32x256xf32> to vector<1x32x256xf32>
    %mul3A_145 = vector.broadcast %broadcast_in_dim3A_143 : vector<32x32x1xf32> to vector<32x32x256xf32>
    %mul3A_146 = vector.broadcast %broadcast_in_dim3A_144 : vector<1x32x256xf32> to vector<32x32x256xf32>
    %mul3A_147 = arith.mulf %mul3A_145, %mul3A_146 : vector<32x32x256xf32>
    %broadcast_in_dim3A_148 = vector.shape_cast %add3A_137 : vector<32x256xf32> to vector<1x32x256xf32>
    %add3A_149 = vector.broadcast %broadcast_in_dim3A_148 : vector<1x32x256xf32> to vector<32x32x256xf32>
    %add3A_150 = arith.addf %mul3A_147, %add3A_149 : vector<32x32x256xf32>
    %swap3A_151 = arith.constant 3 : index
    %swap3A_152 = arith.constant 0 : index
    %swap3A_153 = arith.constant 0 : index
    %swap3A_154 = arith.constant 0 : index
    %swap3A_155 = vector.load %arg9[%swap3A_151, %swap3A_152, %swap3A_153, %swap3A_154] : memref<8x32x32x256xf32, #tpu.memory_space<vmem>>, vector<1x32x32x256xf32>
    %swap3A_156 = vector.shape_cast %swap3A_155 : vector<1x32x32x256xf32> to vector<32x32x256xf32>
    %swap3A_157 = vector.shape_cast %add3A_150 : vector<32x32x256xf32> to vector<1x32x32x256xf32>
    tpu.vector_store %arg9[%swap3A_151, %swap3A_152, %swap3A_153, %swap3A_154], %swap3A_157 {strides = array<i32>} : memref<8x32x32x256xf32, #tpu.memory_space<vmem>>, vector<1x32x32x256xf32>,
    %get3A_158 = arith.constant 4 : index
    %get3A_159 = arith.constant 0 : index
    %get3A_160 = arith.constant 0 : index
    %get3A_161 = vector.load %arg6[%get3A_158, %get3A_159, %get3A_160] : memref<8x32x256xf32, #tpu.memory_space<vmem>>, vector<1x32x256xf32>
    %get3A_162 = vector.shape_cast %get3A_161 : vector<1x32x256xf32> to vector<32x256xf32>
    %get3A_163 = arith.constant 4 : index
    %get3A_164 = arith.constant 0 : index
    %get3A_165 = arith.constant 0 : index
    %get3A_166 = vector.load %arg5[%get3A_163, %get3A_164, %get3A_165] : memref<8x32x256xf32, #tpu.memory_space<vmem>>, vector<1x32x256xf32>
    %get3A_167 = vector.shape_cast %get3A_166 : vector<1x32x256xf32> to vector<32x256xf32>
    %broadcast_in_dim3A_168 = vector.shape_cast %get3A_7 : vector<256xf32> to vector<1x256xf32>
    %mul3A_169 = vector.broadcast %broadcast_in_dim3A_168 : vector<1x256xf32> to vector<32x256xf32>
    %mul3A_170 = arith.mulf %get3A_162, %mul3A_169 : vector<32x256xf32>
    %broadcast_in_dim3A_171 = vector.shape_cast %get3A_11 : vector<256xf32> to vector<1x256xf32>
    %mul3A_172 = vector.broadcast %broadcast_in_dim3A_171 : vector<1x256xf32> to vector<32x256xf32>
    %mul3A_173 = arith.mulf %get3A_162, %mul3A_172 : vector<32x256xf32>
    %add3A_174 = arith.addf %mul3A_173, %get3A_167 : vector<32x256xf32>
    %get3A_175 = arith.constant 4 : index
    %get3A_176 = arith.constant 0 : index
    %get3A_177 = arith.constant 0 : index
    %get3A_178 = vector.load %arg4[%get3A_175, %get3A_176, %get3A_177] : memref<8x32x32xf32, #tpu.memory_space<vmem>>, vector<1x32x32xf32>
    %get3A_179 = vector.shape_cast %get3A_178 : vector<1x32x32xf32> to vector<32x32xf32>
    %broadcast_in_dim3A_180 = vector.shape_cast %get3A_179 : vector<32x32xf32> to vector<32x32x1xf32>
    %broadcast_in_dim3A_181 = vector.shape_cast %mul3A_170 : vector<32x256xf32> to vector<1x32x256xf32>
    %mul3A_182 = vector.broadcast %broadcast_in_dim3A_180 : vector<32x32x1xf32> to vector<32x32x256xf32>
    %mul3A_183 = vector.broadcast %broadcast_in_dim3A_181 : vector<1x32x256xf32> to vector<32x32x256xf32>
    %mul3A_184 = arith.mulf %mul3A_182, %mul3A_183 : vector<32x32x256xf32>
    %broadcast_in_dim3A_185 = vector.shape_cast %add3A_174 : vector<32x256xf32> to vector<1x32x256xf32>
    %add3A_186 = vector.broadcast %broadcast_in_dim3A_185 : vector<1x32x256xf32> to vector<32x32x256xf32>
    %add3A_187 = arith.addf %mul3A_184, %add3A_186 : vector<32x32x256xf32>
    %swap3A_188 = arith.constant 4 : index
    %swap3A_189 = arith.constant 0 : index
    %swap3A_190 = arith.constant 0 : index
    %swap3A_191 = arith.constant 0 : index
    %swap3A_192 = vector.load %arg9[%swap3A_188, %swap3A_189, %swap3A_190, %swap3A_191] : memref<8x32x32x256xf32, #tpu.memory_space<vmem>>, vector<1x32x32x256xf32>
    %swap3A_193 = vector.shape_cast %swap3A_192 : vector<1x32x32x256xf32> to vector<32x32x256xf32>
    %swap3A_194 = vector.shape_cast %add3A_187 : vector<32x32x256xf32> to vector<1x32x32x256xf32>
    tpu.vector_store %arg9[%swap3A_188, %swap3A_189, %swap3A_190, %swap3A_191], %swap3A_194 {strides = array<i32>} : memref<8x32x32x256xf32, #tpu.memory_space<vmem>>, vector<1x32x32x256xf32>,
    %get3A_195 = arith.constant 5 : index
    %get3A_196 = arith.constant 0 : index
    %get3A_197 = arith.constant 0 : index
    %get3A_198 = vector.load %arg6[%get3A_195, %get3A_196, %get3A_197] : memref<8x32x256xf32, #tpu.memory_space<vmem>>, vector<1x32x256xf32>
    %get3A_199 = vector.shape_cast %get3A_198 : vector<1x32x256xf32> to vector<32x256xf32>
    %get3A_200 = arith.constant 5 : index
    %get3A_201 = arith.constant 0 : index
    %get3A_202 = arith.constant 0 : index
    %get3A_203 = vector.load %arg5[%get3A_200, %get3A_201, %get3A_202] : memref<8x32x256xf32, #tpu.memory_space<vmem>>, vector<1x32x256xf32>
    %get3A_204 = vector.shape_cast %get3A_203 : vector<1x32x256xf32> to vector<32x256xf32>
    %broadcast_in_dim3A_205 = vector.shape_cast %get3A_7 : vector<256xf32> to vector<1x256xf32>
    %mul3A_206 = vector.broadcast %broadcast_in_dim3A_205 : vector<1x256xf32> to vector<32x256xf32>
    %mul3A_207 = arith.mulf %get3A_199, %mul3A_206 : vector<32x256xf32>
    %broadcast_in_dim3A_208 = vector.shape_cast %get3A_11 : vector<256xf32> to vector<1x256xf32>
    %mul3A_209 = vector.broadcast %broadcast_in_dim3A_208 : vector<1x256xf32> to vector<32x256xf32>
    %mul3A_210 = arith.mulf %get3A_199, %mul3A_209 : vector<32x256xf32>
    %add3A_211 = arith.addf %mul3A_210, %get3A_204 : vector<32x256xf32>
    %get3A_212 = arith.constant 5 : index
    %get3A_213 = arith.constant 0 : index
    %get3A_214 = arith.constant 0 : index
    %get3A_215 = vector.load %arg4[%get3A_212, %get3A_213, %get3A_214] : memref<8x32x32xf32, #tpu.memory_space<vmem>>, vector<1x32x32xf32>
    %get3A_216 = vector.shape_cast %get3A_215 : vector<1x32x32xf32> to vector<32x32xf32>
    %broadcast_in_dim3A_217 = vector.shape_cast %get3A_216 : vector<32x32xf32> to vector<32x32x1xf32>
    %broadcast_in_dim3A_218 = vector.shape_cast %mul3A_207 : vector<32x256xf32> to vector<1x32x256xf32>
    %mul3A_219 = vector.broadcast %broadcast_in_dim3A_217 : vector<32x32x1xf32> to vector<32x32x256xf32>
    %mul3A_220 = vector.broadcast %broadcast_in_dim3A_218 : vector<1x32x256xf32> to vector<32x32x256xf32>
    %mul3A_221 = arith.mulf %mul3A_219, %mul3A_220 : vector<32x32x256xf32>
    %broadcast_in_dim3A_222 = vector.shape_cast %add3A_211 : vector<32x256xf32> to vector<1x32x256xf32>
    %add3A_223 = vector.broadcast %broadcast_in_dim3A_222 : vector<1x32x256xf32> to vector<32x32x256xf32>
    %add3A_224 = arith.addf %mul3A_221, %add3A_223 : vector<32x32x256xf32>
    %swap3A_225 = arith.constant 5 : index
    %swap3A_226 = arith.constant 0 : index
    %swap3A_227 = arith.constant 0 : index
    %swap3A_228 = arith.constant 0 : index
    %swap3A_229 = vector.load %arg9[%swap3A_225, %swap3A_226, %swap3A_227, %swap3A_228] : memref<8x32x32x256xf32, #tpu.memory_space<vmem>>, vector<1x32x32x256xf32>
    %swap3A_230 = vector.shape_cast %swap3A_229 : vector<1x32x32x256xf32> to vector<32x32x256xf32>
    %swap3A_231 = vector.shape_cast %add3A_224 : vector<32x32x256xf32> to vector<1x32x32x256xf32>
    tpu.vector_store %arg9[%swap3A_225, %swap3A_226, %swap3A_227, %swap3A_228], %swap3A_231 {strides = array<i32>} : memref<8x32x32x256xf32, #tpu.memory_space<vmem>>, vector<1x32x32x256xf32>,
    %get3A_232 = arith.constant 6 : index
    %get3A_233 = arith.constant 0 : index
    %get3A_234 = arith.constant 0 : index
    %get3A_235 = vector.load %arg6[%get3A_232, %get3A_233, %get3A_234] : memref<8x32x256xf32, #tpu.memory_space<vmem>>, vector<1x32x256xf32>
    %get3A_236 = vector.shape_cast %get3A_235 : vector<1x32x256xf32> to vector<32x256xf32>
    %get3A_237 = arith.constant 6 : index
    %get3A_238 = arith.constant 0 : index
    %get3A_239 = arith.constant 0 : index
    %get3A_240 = vector.load %arg5[%get3A_237, %get3A_238, %get3A_239] : memref<8x32x256xf32, #tpu.memory_space<vmem>>, vector<1x32x256xf32>
    %get3A_241 = vector.shape_cast %get3A_240 : vector<1x32x256xf32> to vector<32x256xf32>
    %broadcast_in_dim3A_242 = vector.shape_cast %get3A_7 : vector<256xf32> to vector<1x256xf32>
    %mul3A_243 = vector.broadcast %broadcast_in_dim3A_242 : vector<1x256xf32> to vector<32x256xf32>
    %mul3A_244 = arith.mulf %get3A_236, %mul3A_243 : vector<32x256xf32>
    %broadcast_in_dim3A_245 = vector.shape_cast %get3A_11 : vector<256xf32> to vector<1x256xf32>
    %mul3A_246 = vector.broadcast %broadcast_in_dim3A_245 : vector<1x256xf32> to vector<32x256xf32>
    %mul3A_247 = arith.mulf %get3A_236, %mul3A_246 : vector<32x256xf32>
    %add3A_248 = arith.addf %mul3A_247, %get3A_241 : vector<32x256xf32>
    %get3A_249 = arith.constant 6 : index
    %get3A_250 = arith.constant 0 : index
    %get3A_251 = arith.constant 0 : index
    %get3A_252 = vector.load %arg4[%get3A_249, %get3A_250, %get3A_251] : memref<8x32x32xf32, #tpu.memory_space<vmem>>, vector<1x32x32xf32>
    %get3A_253 = vector.shape_cast %get3A_252 : vector<1x32x32xf32> to vector<32x32xf32>
    %broadcast_in_dim3A_254 = vector.shape_cast %get3A_253 : vector<32x32xf32> to vector<32x32x1xf32>
    %broadcast_in_dim3A_255 = vector.shape_cast %mul3A_244 : vector<32x256xf32> to vector<1x32x256xf32>
    %mul3A_256 = vector.broadcast %broadcast_in_dim3A_254 : vector<32x32x1xf32> to vector<32x32x256xf32>
    %mul3A_257 = vector.broadcast %broadcast_in_dim3A_255 : vector<1x32x256xf32> to vector<32x32x256xf32>
    %mul3A_258 = arith.mulf %mul3A_256, %mul3A_257 : vector<32x32x256xf32>
    %broadcast_in_dim3A_259 = vector.shape_cast %add3A_248 : vector<32x256xf32> to vector<1x32x256xf32>
    %add3A_260 = vector.broadcast %broadcast_in_dim3A_259 : vector<1x32x256xf32> to vector<32x32x256xf32>
    %add3A_261 = arith.addf %mul3A_258, %add3A_260 : vector<32x32x256xf32>
    %swap3A_262 = arith.constant 6 : index
    %swap3A_263 = arith.constant 0 : index
    %swap3A_264 = arith.constant 0 : index
    %swap3A_265 = arith.constant 0 : index
    %swap3A_266 = vector.load %arg9[%swap3A_262, %swap3A_263, %swap3A_264, %swap3A_265] : memref<8x32x32x256xf32, #tpu.memory_space<vmem>>, vector<1x32x32x256xf32>
    %swap3A_267 = vector.shape_cast %swap3A_266 : vector<1x32x32x256xf32> to vector<32x32x256xf32>
    %swap3A_268 = vector.shape_cast %add3A_261 : vector<32x32x256xf32> to vector<1x32x32x256xf32>
    tpu.vector_store %arg9[%swap3A_262, %swap3A_263, %swap3A_264, %swap3A_265], %swap3A_268 {strides = array<i32>} : memref<8x32x32x256xf32, #tpu.memory_space<vmem>>, vector<1x32x32x256xf32>,
    %get3A_269 = arith.constant 7 : index
    %get3A_270 = arith.constant 0 : index
    %get3A_271 = arith.constant 0 : index
    %get3A_272 = vector.load %arg6[%get3A_269, %get3A_270, %get3A_271] : memref<8x32x256xf32, #tpu.memory_space<vmem>>, vector<1x32x256xf32>
    %get3A_273 = vector.shape_cast %get3A_272 : vector<1x32x256xf32> to vector<32x256xf32>
    %get3A_274 = arith.constant 7 : index
    %get3A_275 = arith.constant 0 : index
    %get3A_276 = arith.constant 0 : index
    %get3A_277 = vector.load %arg5[%get3A_274, %get3A_275, %get3A_276] : memref<8x32x256xf32, #tpu.memory_space<vmem>>, vector<1x32x256xf32>
    %get3A_278 = vector.shape_cast %get3A_277 : vector<1x32x256xf32> to vector<32x256xf32>
    %broadcast_in_dim3A_279 = vector.shape_cast %get3A_7 : vector<256xf32> to vector<1x256xf32>
    %mul3A_280 = vector.broadcast %broadcast_in_dim3A_279 : vector<1x256xf32> to vector<32x256xf32>
    %mul3A_281 = arith.mulf %get3A_273, %mul3A_280 : vector<32x256xf32>
    %broadcast_in_dim3A_282 = vector.shape_cast %get3A_11 : vector<256xf32> to vector<1x256xf32>
    %mul3A_283 = vector.broadcast %broadcast_in_dim3A_282 : vector<1x256xf32> to vector<32x256xf32>
    %mul3A_284 = arith.mulf %get3A_273, %mul3A_283 : vector<32x256xf32>
    %add3A_285 = arith.addf %mul3A_284, %get3A_278 : vector<32x256xf32>
    %get3A_286 = arith.constant 7 : index
    %get3A_287 = arith.constant 0 : index
    %get3A_288 = arith.constant 0 : index
    %get3A_289 = vector.load %arg4[%get3A_286, %get3A_287, %get3A_288] : memref<8x32x32xf32, #tpu.memory_space<vmem>>, vector<1x32x32xf32>
    %get3A_290 = vector.shape_cast %get3A_289 : vector<1x32x32xf32> to vector<32x32xf32>
    %broadcast_in_dim3A_291 = vector.shape_cast %get3A_290 : vector<32x32xf32> to vector<32x32x1xf32>
    %broadcast_in_dim3A_292 = vector.shape_cast %mul3A_281 : vector<32x256xf32> to vector<1x32x256xf32>
    %mul3A_293 = vector.broadcast %broadcast_in_dim3A_291 : vector<32x32x1xf32> to vector<32x32x256xf32>
    %mul3A_294 = vector.broadcast %broadcast_in_dim3A_292 : vector<1x32x256xf32> to vector<32x32x256xf32>
    %mul3A_295 = arith.mulf %mul3A_293, %mul3A_294 : vector<32x32x256xf32>
    %broadcast_in_dim3A_296 = vector.shape_cast %add3A_285 : vector<32x256xf32> to vector<1x32x256xf32>
    %add3A_297 = vector.broadcast %broadcast_in_dim3A_296 : vector<1x32x256xf32> to vector<32x32x256xf32>
    %add3A_298 = arith.addf %mul3A_295, %add3A_297 : vector<32x32x256xf32>
    %swap3A_299 = arith.constant 7 : index
    %swap3A_300 = arith.constant 0 : index
    %swap3A_301 = arith.constant 0 : index
    %swap3A_302 = arith.constant 0 : index
    %swap3A_303 = vector.load %arg9[%swap3A_299, %swap3A_300, %swap3A_301, %swap3A_302] : memref<8x32x32x256xf32, #tpu.memory_space<vmem>>, vector<1x32x32x256xf32>
    %swap3A_304 = vector.shape_cast %swap3A_303 : vector<1x32x32x256xf32> to vector<32x32x256xf32>
    %swap3A_305 = vector.shape_cast %add3A_298 : vector<32x32x256xf32> to vector<1x32x32x256xf32>
    tpu.vector_store %arg9[%swap3A_299, %swap3A_300, %swap3A_301, %swap3A_302], %swap3A_305 {strides = array<i32>} : memref<8x32x32x256xf32, #tpu.memory_space<vmem>>, vector<1x32x32x256xf32>,
    %ne3A = arith.constant 0 : i32
    %ne3A_306 = vector.broadcast %ne3A : i32 to vector<8x32xi32>
    %ne3A_307 = arith.cmpi ne, %get3A_3, %ne3A_306 : vector<8x32xi32>
    %broadcast_in_dim3A_308 = vector.shape_cast %ne3A_307 : vector<8x32xi1> to vector<8x1x32xi1>
    %broadcast_in_dim3A_309 = vector.shape_cast %broadcast_in_dim3A_308 : vector<8x1x32xi1> to vector<8x1x32xi1>
    %broadcast_in_dim3A_310 = vector.broadcast %broadcast_in_dim3A_309 : vector<8x1x32xi1> to vector<8x32x32xi1>
    %swap3A_311 = arith.constant 0 : index
    %swap3A_312 = arith.constant 0 : index
    %swap3A_313 = arith.constant 0 : index
    %swap3A_314 = vector.load %arg10[%swap3A_311, %swap3A_312, %swap3A_313] : memref<8x32x32xi32, #tpu.memory_space<vmem>>, vector<8x32x32xi32>
    %swap3A_315 = arith.extui %broadcast_in_dim3A_310 : vector<8x32x32xi1> to vector<8x32x32xi32>
    %swap3A_316 = arith.constant dense<0> : vector<8x32x32xi32>
    %swap3A_317 = arith.cmpi ne, %swap3A_314, %swap3A_316 : vector<8x32x32xi32>
    tpu.vector_store %arg10[%swap3A_311, %swap3A_312, %swap3A_313], %swap3A_315 {strides = array<i32>} : memref<8x32x32xi32, #tpu.memory_space<vmem>>, vector<8x32x32xi32>,
    return
  }
  func.func @transform_2(%arg0: i32) -> (i32, i32) {
    %c0_i32 = arith.constant 0 : i32
    %c0_i32_0 = arith.constant 0 : i32
    %c0_i32_1 = arith.constant 0 : i32
    return %c0_i32, %c0_i32_0 : i32, i32
  }
  func.func @transform_3(%arg0: i32) -> (i32, i32, i32) {
    %add3A = arith.constant 8 : i32
    %add3A_0 = arith.addi %arg0, %add3A : i32
    %c0_i32 = arith.constant 0 : i32
    %c0_i32_1 = arith.constant 0 : i32
    %c0_i32_2 = arith.constant 0 : i32
    return %add3A_0, %c0_i32, %c0_i32_1 : i32, i32, i32
  }
  func.func @transform_4(%arg0: i32) -> (i32, i32, i32) {
    %c0_i32 = arith.constant 0 : i32
    %c0_i32_0 = arith.constant 0 : i32
    %c0_i32_1 = arith.constant 0 : i32
    return %arg0, %c0_i32, %c0_i32_0 : i32, i32, i32
  }
  func.func @transform_5(%arg0: i32) -> (i32, i32, i32) {
    %c0_i32 = arith.constant 0 : i32
    %c0_i32_0 = arith.constant 0 : i32
    %c0_i32_1 = arith.constant 0 : i32
    return %arg0, %c0_i32, %c0_i32_0 : i32, i32, i32
  }
  func.func @transform_6(%arg0: i32) -> (i32, i32) {
    %c0_i32 = arith.constant 0 : i32
    %c0_i32_0 = arith.constant 0 : i32
    %c0_i32_1 = arith.constant 0 : i32
    return %c0_i32, %c0_i32_0 : i32, i32
  }
  func.func @transform_7(%arg0: i32) -> (i32, i32) {
    %c0_i32 = arith.constant 0 : i32
    %c0_i32_0 = arith.constant 0 : i32
    %c0_i32_1 = arith.constant 0 : i32
    return %c0_i32, %c0_i32_0 : i32, i32
  }
  func.func @transform_8(%arg0: i32) -> (i32, i32, i32, i32) {
    %add3A = arith.constant 8 : i32
    %add3A_0 = arith.addi %arg0, %add3A : i32
    %c0_i32 = arith.constant 0 : i32
    %c0_i32_1 = arith.constant 0 : i32
    %c0_i32_2 = arith.constant 0 : i32
    %c0_i32_3 = arith.constant 0 : i32
    return %add3A_0, %c0_i32, %c0_i32_1, %c0_i32_2 : i32, i32, i32, i32
  }
  func.func @transform_9(%arg0: i32) -> (i32, i32, i32) {
    %add3A = arith.constant 8 : i32
    %add3A_0 = arith.addi %arg0, %add3A : i32
    %c0_i32 = arith.constant 0 : i32
    %c0_i32_1 = arith.constant 0 : i32
    %c0_i32_2 = arith.constant 0 : i32
    return %add3A_0, %c0_i32, %c0_i32_1 : i32, i32, i32
  }
}

</mosaic_0001>

<sc_bundles>
// kernel: kernel.5.cloned.1.call-start
scs
__scs_entry_jumppad:
0x0: {  	(pc) =	sbr.rel $0x88, $3  }
0x1: {  	(tag) =	ssettag $0x0;
	lr =	simm.s32 $0x1  }
0x2: {  	[smem:$0x3F9B] =	sst lr;
	_ =	strace $0xD0000000  }
0x3: {  	_ = 	snop  }
0x4: {  	_ = 	snop  }
0x5: {  	_ = 	snop  }
0x6: {  	_ = 	snop  }
0x7: {  	_ = 	snop  }
__scs_overlays_trampoline_lowered:
0x8: {  	[smem:$0x3FAA] =	sst s0  }
0x9: {  	[smem:$0x3FAB] =	sst s1  }
0xa: {  	[smem:$0x3FAC] =	sst s2  }
0xb: {  	[smem:$0x3FAD] =	sst s3  }
0xc: {  	[smem:$0x3FAE] =	sst s4  }
0xd: {  	[smem:$0x3FAF] =	sst s5  }
0xe: {  	[smem:$0x3FB0] =	sst s6  }
0xf: {  	[smem:$0x3FB1] =	sst s7  }
0x10: {  	[smem:$0x3FB2] =	sst s8  }
0x11: {  	[smem:$0x3FB3] =	sst s9;
	s0 =	simm.s32 @!p0 $0x0  }
0x12: {  	s1 =	sld [smem:$0x3F99];
	s0 =	simm.s32 @p0 $0x1  }
0x13: {  	[smem:$0x3FB4] =	sst s0;
	s0 =	simm.s32 @!p1 $0x0  }
0x14: {  	s2 =	sld [smem:$0x3F98];
	s0 =	simm.s32 @p1 $0x1  }
0x15: {  	[smem:$0x3FB5] =	sst s0;
	s0 =	simm.s32 @!p2 $0x0  }
0x16: {  	s3 =	sld [smem:$0x3FDB];
	s0 =	simm.s32 @p2 $0x1  }
0x17: {  	s4 =	simm.s32 $0x1BF5;
	[smem:$0x3FB7] =	sst s0  }
0x18: {  	s0 =	sld [smem:$0x3F9A];
	_ =	swait.ge [sflag:s4], $0x0  }
0x19: {  	s7 =	sld [smem:$0x3F9B]  }
0x1a: {  	s8 =	sadd.s32 $0xFFFFE003, lr  }
0x1b: {  	s9 =	sadd.s32 $0xFFFFFEF7, lr;
	s5 =	simm.s32 $0xFFFFFFFF;
	p2 =	slt.u32 s8, $0xFFFFF086  }
0x1c: {  	p1 =	slt.u32 s9, $0xF7A;
	s5 =	simm.s32 @!p2 $0x0  }
0x1d: {  	s5 =	simm.s32 @p1 $0x1;
	p0 =	seq.s32 s7, s2  }
0x1e: {  	s7 =	smul.u32 @!p0 $0xF7A, s2;
	p2 =	seq.s32 @!p0 s5, $0x0  }
0x1f: {  	s9 =	smul.u32 $0xF7A, s1;
	s8 =	simm.s32 @!p0 $0x1BF5;
	p2 =	por !p2, p0  }
0x20: {  	[sflag:s8] =	ssyncset.s32 @!p0 $0xFFFFF086;
	s6 =	sadd.s32 @!p0 s3, s7;
	s7 =	simm.s32 @!p0 $0x108  }
0x21: {  	s3 =	sadd.s32 s3, s9;
	s6 =	sadd.s32 @!p0 $0x88, s6;
	s7 =	simm.s32 @p2 $0x1082  }
0x22: {  	[simem:s7], [sflag:s8] =	dma.local @!p0 [hbm:s6], $0xF7A  }
0x23: {  	s9 =	sor.u32 $0xD0000000, s2;
	s6 =	simm.s32 $0x108;
	_ =	swait.ge @!p0 [sflag:s8], $0x0  }
0x24: {  	s3 =	sadd.s32 $0x88, s3;
	s6 =	simm.s32 @!p1 $0x1082;
	[sflag:s4] =	ssyncset.s32 $0xFFFFF086  }
0x25: {  	[simem:s6], [sflag:s4] =	dma.local [hbm:s3], $0xF7A  }
0x26: {  	[smem:$0x3F9B] =	sst s1;
	(tag) =	ssettag s2;
	_ =	strace s9  }
0x27: {  	s1 =	sld [smem:$0x3FAB]  }
0x28: {  	s2 =	sld [smem:$0x3FAC]  }
0x29: {  	s4 =	sld [smem:$0x3FAE]  }
0x2a: {  	p0 =	seq.s32 s5, $0x0;
	s5 =	sld [smem:$0x3FAF]  }
0x2b: {  	s6 =	sld [smem:$0x3FB0]  }
0x2c: {  	s7 =	sld [smem:$0x3FB1]  }
0x2d: {  	s3 =	simm.s32 $0x108;
	s8 =	sld [smem:$0x3FB2]  }
0x2e: {  	s3 =	simm.s32 @!p0 $0x1082;
	s9 =	sld [smem:$0x3FB3]  }
0x2f: {  	lr =	sadd.s32 s0, s3;
	s0 =	sld [smem:$0x3FAA]  }
0x30: {  	s3 =	sld [smem:$0x3FAD]  }
0x31: {  	[smem:$0x3FB6] =	sst s10  }
0x32: {  	s10 =	sld [smem:$0x3FB4];
	_ =	sdelay $0x3  }
0x33: {  	p0 =	seq.s32 s10, $0x1;
	s10 =	sld [smem:$0x3FB6];
	_ =	sdelay $0x3  }
0x34: {  	[smem:$0x3FB6] =	sst s10  }
0x35: {  	s10 =	sld [smem:$0x3FB5];
	_ =	sdelay $0x3  }
0x36: {  	p1 =	seq.s32 s10, $0x1;
	s10 =	sld [smem:$0x3FB6];
	_ =	sdelay $0x3  }
0x37: {  	[smem:$0x3FB6] =	sst s10  }
0x38: {  	s10 =	sld [smem:$0x3FB7]  }
0x39: {  	_ = 	snop;
	(pc) =	sbr.ind lr, $3  }
0x3a: {  	_ = 	snop  }
0x3b: {  	_ = 	snop  }
0x3c: {  	p2 =	seq.s32 s10, $0x1;
	s10 =	sld [smem:$0x3FB6]  }
0x3d: {  	_ =	shalt  }
0x3e: {  	_ =	shalt  }
0x3f: {  	_ =	shalt  }
0x40: {  	_ =	shalt  }
0x41: {  	_ =	shalt  }
0x42: {  	_ =	shalt  }
0x43: {  	_ =	shalt  }
0x44: {  	_ =	shalt  }
0x45: {  	_ =	shalt  }
0x46: {  	_ =	shalt  }
0x47: {  	_ =	shalt  }
0x48: {  	_ =	shalt  }
0x49: {  	_ =	shalt  }
0x4a: {  	_ =	shalt  }
0x4b: {  	_ =	shalt  }
0x4c: {  	_ =	shalt  }
0x4d: {  	_ =	shalt  }
0x4e: {  	_ =	shalt  }
0x4f: {  	_ =	shalt  }
0x50: {  	_ =	shalt  }
0x51: {  	_ =	shalt  }
0x52: {  	_ =	shalt  }
0x53: {  	_ =	shalt  }
0x54: {  	_ =	shalt  }
0x55: {  	_ =	shalt  }
0x56: {  	_ =	shalt  }
0x57: {  	_ =	shalt  }
0x58: {  	_ =	shalt  }
0x59: {  	_ =	shalt  }
0x5a: {  	_ =	shalt  }
0x5b: {  	_ =	shalt  }
0x5c: {  	_ =	shalt  }
0x5d: {  	_ =	shalt  }
0x5e: {  	_ =	shalt  }
0x5f: {  	_ =	shalt  }
0x60: {  	_ =	shalt  }
0x61: {  	_ =	shalt  }
0x62: {  	_ =	shalt  }
0x63: {  	_ =	shalt  }
0x64: {  	_ =	shalt  }
0x65: {  	_ =	shalt  }
0x66: {  	_ =	shalt  }
0x67: {  	_ =	shalt  }
0x68: {  	_ =	shalt  }
0x69: {  	_ =	shalt  }
0x6a: {  	_ =	shalt  }
0x6b: {  	_ =	shalt  }
0x6c: {  	_ =	shalt  }
0x6d: {  	_ =	shalt  }
0x6e: {  	_ =	shalt  }
0x6f: {  	_ =	shalt  }
0x70: {  	_ =	shalt  }
0x71: {  	_ =	shalt  }
0x72: {  	_ =	shalt  }
0x73: {  	_ =	shalt  }
0x74: {  	_ =	shalt  }
0x75: {  	_ =	shalt  }
0x76: {  	_ =	shalt  }
0x77: {  	_ =	shalt  }
0x78: {  	_ =	shalt  }
0x79: {  	_ =	shalt  }
0x7a: {  	_ =	shalt  }
0x7b: {  	_ =	shalt  }
0x7c: {  	_ =	shalt  }
0x7d: {  	_ =	shalt  }
0x7e: {  	_ =	shalt  }
0x7f: {  	_ =	shalt  }
0x80: {  	_ =	shalt  }
0x81: {  	_ =	shalt  }
0x82: {  	_ =	shalt  }
0x83: {  	_ =	shalt  }
0x84: {  	_ =	shalt  }
0x85: {  	_ =	shalt  }
0x86: {  	_ =	shalt  }
0x87: {  	_ =	shalt  }
.Lfunc_end0:
.L_simem_size_0:
called_computation_lowered:
.L_overlay_start_0:
0x88: {  	s2 =	sld [smem:$0x3FD9]  }
0x89: {  	s3 =	sld [smem:$0x3FFE];
	_ =	sdelay $0x1  }
0x8a: {  	s1 =	srdreg.scid  }
0x8b: {  	s0 =	sand.u32 $0x1, s1  }
0x8c: {  	s14 =	sshll.u32 s0, $0xA;
	s2 =	sadd.s32 s3, s2  }
0x8d: {  	s2 =	sadd.s32 s2, s14  }
0x8e: {  	[smem:$0x3FC2] =	sst s2  }
0x8f: {  	_ = 	snop  }
0x90: {  	s2 =	sld [smem:$0x3FD0];
	_ =	sdelay $0x1  }
0x91: {  	s15 =	sld [smem:$0x3FC7]  }
0x92: {  	s5 =	simm.s32 $0xA;
	s6 =	simm.s32 $0x10;
	s4 =	sld [smem:$0x3FC6]  }
0x93: {  	[smem:s6], [sflag:s5] =	dma.local [hbm:s2], $0x1  }
0x94: {  	_ =	swait.eq [sflag:s5], $0x1  }
0x95: {  	[sflag:s5] =	ssyncset.done $0x0  }
0x96: {  	[sflag:s5] =	ssyncadd.s32 $0xFFFFFFFF  }
0x97: {  	s16 =	sld [smem:$0x11];
	(tm) =	ssettm $0x1  }
0x98: {  	s17 =	sld [smem:$0x3FFB];
	_ =	sdelay $0x3  }
0x99: {  	_ =	strace s17  }
0x9a: {  	s5 =	sld [smem:$0x3FFC];
	_ =	sdelay $0x3  }
0x9b: {  	_ =	strace s5  }
0x9c: {  	s5 =	sld [smem:$0x3FFD];
	_ =	sdelay $0x3  }
0x9d: {  	_ =	strace s5  }
0x9e: {  	_ =	strace $0x8FFFFFFF  }
0x9f: {  	s18 =	sld [smem:$0x3FDB];
	_ =	sdelay $0x1  }
0xa0: {  	s19 =	simm.s32 $_scs_section_size  }
0xa1: {  	s7 =	simm.s32 $_size__tile_overlayer_lowered;
	s8 =	simm.s32 $_tile_overlayer_lowered  }
0xa2: {  	s22 =	simm.s32 $0x1BFF;
	s21 =	sshll.u32 s8, $0x1;
	s5 =	sadd.s32 s19, s18  }
0xa3: {  	s9 =	simm.s32 $0x0;
	s20 =	sshll.u32 s7, $0x1;
	s7 =	sadd.s32 s21, s5  }
0xa4: {  	[timem:s9], [sflag:s22] =	dma.local [hbm:s7], s20  }
0xa5: {  	_ =	swait.ge [sflag:s22], s20  }
0xa6: {  	s6 =	ssub.s32 $0x0, s20;
	[sflag:s22] =	ssyncset.done $0x0  }
0xa7: {  	[sflag:s22] =	ssyncadd.s32 s6;
	_ =	sdelay $0x1  }
0xa8: {  	s23 =	simm.s32 $0x1B8B  }
0xa9: {  	_ =	swait.ge [sflag:s23], $0x1  }
0xaa: {  	[sflag:s23] =	ssyncset.done $0x0  }
0xab: {  	s25 =	simm.s32 $0x1B8E;
	s24 =	sld [smem:$0x3FFE];
	[sflag:s23] =	ssyncadd.s32 $0xFFFFFFFF  }
0xac: {  	s26 =	simm.s32 $execute0_lowered;
	[smem:$0x3FD2] =	sst s25  }
0xad: {  	s7 =	sshll.u32 s26, $0x1;
	_ =	strace $0x80000046;
	[dreg:$0x1] =	wrdreg $0xFFFFFFFF  }
0xae: {  	s28 =	simm.s32 $_size_execute0_lowered;
	s5 =	sadd.s32 s5, s7;
	[dreg:$0x0] =	wrdreg $0x0  }
0xaf: {  	s7 =	sshll.u32 s28, $0x1;
	[dreg:$0x2] =	wrdreg s5  }
0xb0: {  	[dreg:$0x3] =	wrdreg s7  }
0xb1: {  	[dreg:$0x4] =	wrdreg $0xC0  }
0xb2: {  	_ =	task [dreg:s9], $0x5FFFF  }
0xb3: {  	[dreg:$0x1] =	wrdreg $0xFFFFFFFF  }
0xb4: {  	[dreg:$0x0] =	wrdreg $0x60  }
0xb5: {  	[dreg:$0x2] =	wrdreg s16  }
0xb6: {  	[dreg:$0x3] =	wrdreg s15  }
0xb7: {  	[dreg:$0x4] =	wrdreg s4  }
0xb8: {  	[dreg:$0x5] =	wrdreg s24  }
0xb9: {  	[dreg:$0x6] =	wrdreg $0x9  }
0xba: {  	_ =	task.clear_ibuf [dreg:s9], $0x7FFFF;
	_ =	strace $0x90000046  }
0xbb: {  	s29 =	simm.s32 $0x9;
	_ =	strace $0x80000048  }
0xbc: {  	_ =	swait.ge [sflag:s29], $0x1  }
0xbd: {  	[sflag:s29] =	ssyncadd.s32 $0xFFFFFFFF  }
0xbe: {  	_ =	strace $0x90000048  }
0xbf: {  	_ =	sfence  }
0xc0: {  	s30 =	sld [smem:$0x0];
	_ =	sdelay $0x2  }
0xc1: {  	s31 =	sshll.u32 s1, $0xD;
	s1 =	sshrl.u32 s1, $0x2  }
0xc2: {  	s3 =	sand.u32 $0x4000, s31;
	s1 =	sadd.s32 s1, s30  }
0xc3: {  	s0 =	sor.u32 s3, s0;
	s1 =	sshll.u32 s1, $0x11  }
0xc4: {  	s0 =	sor.u32 s1, s0  }
0xc5: {  	s0 =	sadd.s32 $0x8F2B, s0  }
0xc6: {  	[sflag:s0] =	ssyncadd.remote.s32 $0x1  }
0xc7: {  	_ =	sfence.sel $0xFFFF  }
0xc8: {  	[dreg:$0x0] =	wrdreg $0xFFFFFFFF;
	(pc) =	sbr.abs _section_cstart, $3  }
0xc9: {  	[dreg:$0x1] =	wrdreg $0xFFFFFFFF  }
0xca: {  	_ =	task.clear_ibuf [dreg:s9], $0x2FFFF;
	_ =	strace $0x9FFFFFFF  }
0xcb: {  	(tm) =	ssettm $0x7FFFFFFF  }
tec
execute0_lowered:
.L_overlay_start_1:
0x0: {  	(tag) =	ssettag $0x1  }
0x1: {  	s5 =	rddreg [dreg:$0x0]  }
0x2: {  	s1 =	rddreg [dreg:$0x1]  }
0x3: {  	s3 =	rddreg [dreg:$0x2]  }
0x4: {  	s6 =	rddreg [dreg:$0x3];
	s4 =	srdreg.scid  }
0x5: {  	s0 =	rddreg [dreg:$0x4];
	s2 =	stileid.u32  }
0x6: {  	s11 =	simm.s32 $0x880;
	s12 =	simm.s32 $0x1080;
	s13 =	simm.s32 $0x1880  }
0x7: {  	s14 =	simm.s32 $0x2080;
	s15 =	simm.s32 $0x2880;
	s16 =	simm.s32 $0x3080  }
0x8: {  	s17 =	simm.s32 $0x3880;
	s18 =	simm.s32 $0x4080;
	s19 =	simm.s32 $0x4880  }
0x9: {  	s20 =	simm.s32 $0x5080;
	s21 =	simm.s32 $0x5880;
	s22 =	simm.s32 $0x6080  }
0xa: {  	s23 =	simm.s32 $0x6880;
	s24 =	simm.s32 $0x7080;
	s25 =	simm.s32 $0x7880  }
0xb: {  	s26 =	simm.s32 $0x1;
	s28 =	simm.s32 $0x2;
	s7 =	sand.u32 $0x1, s4  }
0xc: {  	s4 =	simm.s32 $0x0;
	s8 =	sshll.u32 s2, $0x7;
	s9 =	sshll.u32 s7, $0x6  }
0xd: {  	[smem:$0x7FF] =	sst s4;
	s7 =	ssub.s32 $0x2, s7;
	s8 =	sor.u32 s9, s8  }
0xe: {  	_ =	strace $0x80000047;
	s31 =	sshrl.u32 s7, $0x1;
	s9 =	sshll.u32 s8, $0x5  }
0xf: {  	v2 =	vlaneseq.u32;
	s8 =	sshrl.u32 s8, $0x3;
	s10 =	ssub.s32 s7, s31;
	s9 =	sadd.s32 s9, s6  }
0x10: {  	vm0 =	vmmov $0xffff;
	v1 =	vshrl.u32 v2, $0x3;
	s5 =	sadd.s32 s5, s8;
	s8 =	smax.u32 s10, $0x1;
	s10 =	simm.s32 $0x80  }
0x11: {  	v0 =	vand.u32 $0x7, v2;
	v2 =	vor.u32 $0x8, v2;
	v1 =	vmul.u32 $0x8, v1;
	s6 =	sadd.s32 $0x1800, s9;
	s7 =	sadd.s32 $0x11800, s9;
	s9 =	simm.s32 $0x3  }
.LBB2_1:
0x12: {  	[tilespmem:s4], [sflag:$0x3] =	stream.linear.gather [hbm4b:s5+s4], $0x40, $0x38;
	[tilespmem:$0x8080] =	vst v63  }
0x13: {  	_ =	swait.ge [sflag:s9], $0x40  }
0x14: {  	[sflag:s9] =	ssyncset.done $0x0  }
0x15: {  	[sflag:s9] =	ssyncadd.s32 $0xFFFFFFC0  }
0x16: {  	v3 =	vld [tilespmem:$0x0];
	_ =	sdelay $0x4  }
0x17: {  	v4 =	vshll.u32 v3, $0x1  }
0x18: {  	v3 =	vand.u32 $0x7, v3;
	v4 =	vand.u32 $0xFFFFFFF0, v4  }
0x19: {  	v3 =	vor.u32 v3, v4  }
0x1a: {  	v4 =	vperm.xlane v3, v0;
	_ =	sdelay $0x1  }
0x1b: {  	v3 =	vperm.xlane v3, v2;
	v4 =	vadd.s32 v1, v4;
	_ =	sdelay $0x1  }
0x1c: {  	v3 =	vadd.s32 v1, v3;
	_ =	sdelay $0x2  }
0x1d: {  	[tilespmem:s10], [sflag:$0x1] =	stream.indirect_vreg.gather [hbm4b:s1+s4], $0x80, v4, vm0, $0xb8;
	[tilespmem:$0x8080] =	vst v63  }
0x1e: {  	_ = 	snop  }
0x1f: {  	[tilespmem:s11], [sflag:$0x1] =	stream.indirect_vreg.gather [hbm4b:s1+s4], $0x80, v3, vm0, $0xb8;
	[tilespmem:$0x8080] =	vst v63  }
0x20: {  	v3 =	vld [tilespmem:$0x10];
	_ =	sdelay $0x4  }
0x21: {  	v57 =	vshll.u32 v3, $0x1  }
0x22: {  	v3 =	vand.u32 $0x7, v3;
	v4 =	vand.u32 $0xFFFFFFF0, v57  }
0x23: {  	v3 =	vor.u32 v3, v4  }
0x24: {  	v4 =	vperm.xlane v3, v0;
	_ =	sdelay $0x1  }
0x25: {  	v3 =	vperm.xlane v3, v2;
	v4 =	vadd.s32 v1, v4;
	_ =	sdelay $0x1  }
0x26: {  	v3 =	vadd.s32 v1, v3;
	_ =	sdelay $0x2  }
0x27: {  	[tilespmem:s12], [sflag:$0x1] =	stream.indirect_vreg.gather [hbm4b:s1+s4], $0x80, v4, vm0, $0xb8;
	[tilespmem:$0x8080] =	vst v63  }
0x28: {  	_ = 	snop  }
0x29: {  	[tilespmem:s13], [sflag:$0x1] =	stream.indirect_vreg.gather [hbm4b:s1+s4], $0x80, v3, vm0, $0xb8;
	[tilespmem:$0x8080] =	vst v63  }
0x2a: {  	v3 =	vld [tilespmem:$0x20];
	_ =	sdelay $0x4  }
0x2b: {  	v58 =	vshll.u32 v3, $0x1  }
0x2c: {  	v3 =	vand.u32 $0x7, v3;
	v4 =	vand.u32 $0xFFFFFFF0, v58  }
0x2d: {  	v3 =	vor.u32 v3, v4  }
0x2e: {  	v4 =	vperm.xlane v3, v0;
	_ =	sdelay $0x1  }
0x2f: {  	v3 =	vperm.xlane v3, v2;
	v4 =	vadd.s32 v1, v4;
	_ =	sdelay $0x1  }
0x30: {  	v3 =	vadd.s32 v1, v3;
	_ =	sdelay $0x2  }
0x31: {  	[tilespmem:s14], [sflag:$0x1] =	stream.indirect_vreg.gather [hbm4b:s1+s4], $0x80, v4, vm0, $0xb8;
	[tilespmem:$0x8080] =	vst v63  }
0x32: {  	_ = 	snop  }
0x33: {  	[tilespmem:s15], [sflag:$0x1] =	stream.indirect_vreg.gather [hbm4b:s1+s4], $0x80, v3, vm0, $0xb8;
	[tilespmem:$0x8080] =	vst v63  }
0x34: {  	v3 =	vld [tilespmem:$0x30];
	_ =	sdelay $0x4  }
0x35: {  	v59 =	vshll.u32 v3, $0x1  }
0x36: {  	v3 =	vand.u32 $0x7, v3;
	v4 =	vand.u32 $0xFFFFFFF0, v59  }
0x37: {  	v3 =	vor.u32 v3, v4  }
0x38: {  	v4 =	vperm.xlane v3, v0;
	_ =	sdelay $0x1  }
0x39: {  	v3 =	vperm.xlane v3, v2;
	v4 =	vadd.s32 v1, v4;
	_ =	sdelay $0x1  }
0x3a: {  	v3 =	vadd.s32 v1, v3;
	_ =	sdelay $0x2  }
0x3b: {  	[tilespmem:s16], [sflag:$0x1] =	stream.indirect_vreg.gather [hbm4b:s1+s4], $0x80, v4, vm0, $0xb8;
	[tilespmem:$0x8080] =	vst v63  }
0x3c: {  	_ = 	snop  }
0x3d: {  	[tilespmem:s17], [sflag:$0x1] =	stream.indirect_vreg.gather [hbm4b:s1+s4], $0x80, v3, vm0, $0xb8;
	[tilespmem:$0x8080] =	vst v63  }
0x3e: {  	v3 =	vld [tilespmem:$0x0];
	_ =	sdelay $0x4  }
0x3f: {  	v60 =	vshll.u32 v3, $0x1  }
0x40: {  	v3 =	vand.u32 $0x7, v3;
	v4 =	vand.u32 $0xFFFFFFF0, v60  }
0x41: {  	v3 =	vor.u32 v3, v4  }
0x42: {  	v4 =	vperm.xlane v3, v0;
	_ =	sdelay $0x1  }
0x43: {  	v3 =	vperm.xlane v3, v2;
	v4 =	vadd.s32 v1, v4;
	_ =	sdelay $0x1  }
0x44: {  	v3 =	vadd.s32 v1, v3;
	_ =	sdelay $0x2  }
0x45: {  	[tilespmem:s18], [sflag:$0x2] =	stream.indirect_vreg.gather [hbm4b:s3+s4], $0x80, v4, vm0, $0xb8;
	[tilespmem:$0x8080] =	vst v63  }
0x46: {  	_ = 	snop  }
0x47: {  	[tilespmem:s19], [sflag:$0x2] =	stream.indirect_vreg.gather [hbm4b:s3+s4], $0x80, v3, vm0, $0xb8;
	[tilespmem:$0x8080] =	vst v63  }
0x48: {  	v3 =	vld [tilespmem:$0x10];
	_ =	sdelay $0x4  }
0x49: {  	v61 =	vshll.u32 v3, $0x1  }
0x4a: {  	v3 =	vand.u32 $0x7, v3;
	v4 =	vand.u32 $0xFFFFFFF0, v61  }
0x4b: {  	v3 =	vor.u32 v3, v4  }
0x4c: {  	v4 =	vperm.xlane v3, v0;
	_ =	sdelay $0x1  }
0x4d: {  	v3 =	vperm.xlane v3, v2;
	v4 =	vadd.s32 v1, v4;
	_ =	sdelay $0x1  }
0x4e: {  	v3 =	vadd.s32 v1, v3;
	_ =	sdelay $0x2  }
0x4f: {  	[tilespmem:s20], [sflag:$0x2] =	stream.indirect_vreg.gather [hbm4b:s3+s4], $0x80, v4, vm0, $0xb8;
	[tilespmem:$0x8080] =	vst v63  }
0x50: {  	_ = 	snop  }
0x51: {  	[tilespmem:s21], [sflag:$0x2] =	stream.indirect_vreg.gather [hbm4b:s3+s4], $0x80, v3, vm0, $0xb8;
	[tilespmem:$0x8080] =	vst v63  }
0x52: {  	v3 =	vld [tilespmem:$0x20];
	_ =	sdelay $0x4  }
0x53: {  	v62 =	vshll.u32 v3, $0x1  }
0x54: {  	v3 =	vand.u32 $0x7, v3;
	v4 =	vand.u32 $0xFFFFFFF0, v62  }
0x55: {  	v3 =	vor.u32 v3, v4  }
0x56: {  	v4 =	vperm.xlane v3, v0;
	_ =	sdelay $0x1  }
0x57: {  	v3 =	vperm.xlane v3, v2;
	v4 =	vadd.s32 v1, v4;
	_ =	sdelay $0x1  }
0x58: {  	v3 =	vadd.s32 v1, v3;
	_ =	sdelay $0x2  }
0x59: {  	[tilespmem:s22], [sflag:$0x2] =	stream.indirect_vreg.gather [hbm4b:s3+s4], $0x80, v4, vm0, $0xb8;
	[tilespmem:$0x8080] =	vst v63  }
0x5a: {  	_ = 	snop  }
0x5b: {  	[tilespmem:s23], [sflag:$0x2] =	stream.indirect_vreg.gather [hbm4b:s3+s4], $0x80, v3, vm0, $0xb8;
	[tilespmem:$0x8080] =	vst v63  }
0x5c: {  	v3 =	vld [tilespmem:$0x30];
	_ =	sdelay $0x4  }
0x5d: {  	v63 =	vshll.u32 v3, $0x1  }
0x5e: {  	v3 =	vand.u32 $0x7, v3;
	v4 =	vand.u32 $0xFFFFFFF0, v63  }
0x5f: {  	v3 =	vor.u32 v3, v4  }
0x60: {  	v4 =	vperm.xlane v3, v0;
	_ =	sdelay $0x1  }
0x61: {  	v3 =	vperm.xlane v3, v2;
	v4 =	vadd.s32 v1, v4;
	_ =	sdelay $0x1  }
0x62: {  	v3 =	vadd.s32 v1, v3;
	_ =	sdelay $0x2  }
0x63: {  	[tilespmem:s24], [sflag:$0x2] =	stream.indirect_vreg.gather [hbm4b:s3+s4], $0x80, v4, vm0, $0xb8;
	[tilespmem:$0x8080] =	vst v63  }
0x64: {  	_ = 	snop  }
0x65: {  	[tilespmem:s25], [sflag:$0x2] =	stream.indirect_vreg.gather [hbm4b:s3+s4], $0x80, v3, vm0, $0xb8;
	[tilespmem:$0x8080] =	vst v63  }
0x66: {  	_ =	swait.ge [sflag:s26], $0x4000  }
0x67: {  	[sflag:s26] =	ssyncset.done $0x0  }
0x68: {  	[sflag:s26] =	ssyncadd.s32 $0xFFFFC000  }
0x69: {  	_ =	swait.ge [sflag:s28], $0x4000  }
0x6a: {  	[sflag:s28] =	ssyncset.done $0x0  }
0x6b: {  	[sflag:s28] =	ssyncadd.s32 $0xFFFFC000  }
0x6c: {  	[hbm4b:s6+s4] =	stream.linear.scatter [tilespmem:s10], [sflag:$0x3], $0x4000, $0x38;
	[tilespmem:$0x8080] =	vst v63  }
0x6d: {  	_ =	swait.ge [sflag:s9], $0x4000  }
0x6e: {  	p0 =	sne.s32 s8, $0x1;
	[sflag:s9] =	ssyncset.done $0x0  }
.Ltmp0:
0x6f: {  	[sflag:s9] =	ssyncadd.s32 $0xFFFFC000;
	(pc) =	sbr.rel @p0 .LBB2_1-.Ltmp0, $4  }
0x70: {  	[hbm4b:s7+s4] =	stream.linear.scatter [tilespmem:s18], [sflag:$0x3], $0x4000, $0x38;
	[tilespmem:$0x8080] =	vst v63  }
0x71: {  	_ =	swait.ge [sflag:s9], $0x4000  }
0x72: {  	[sflag:s9] =	ssyncset.done $0x0  }
0x73: {  	s8 =	sadd.s32 $0xFFFFFFFF, s8;
	[sflag:s9] =	ssyncadd.s32 $0xFFFFC000  }
0x74: {  	_ =	sfence.sel $0x180000  }
0x75: {  	[bflag:$0x0] =	sbarrier.arrive $0xFFFF  }
0x76: {  	p0 =	sne.s32 s2, $0x0;
	_ =	strace $0x90000047  }
0x77: {  	s0 =	sadd.s32 @!p0 $0x100000, s0;
	[bflag:$0x2] =	sbarrier.arrive $0xFFFF  }
0x78: {  	[sflag:s0] =	ssyncadd.tile.s32 @!p0 $0x1;
	_ =	shalt  }
.Lfunc_end2:
_tile_overlayer_lowered:
.L_overlay_start_2:
0x79: {  	(tag) =	ssettag $0x2  }
0x7a: {  	s0 =	rddreg [dreg:$0x0];
	s2 =	stileid.u32  }
0x7b: {  	s1 =	rddreg [dreg:$0x1];
	p0 =	sne.s32 s2, $0x0  }
0x7c: {  	s3 =	rddreg [dreg:$0x2];
	[bflag:$0x3] =	sbarrier.arrive $0xFFFF;
	s2 =	simm.s32 @!p0 $0x1C03  }
0x7d: {  	[timem:s3], [sflag:s2] =	dma.local @!p0 [hbm:s0], s1  }
0x7e: {  	s0 =	simm.s32 @!p0 $0x3  }
0x7f: {  	_ =	swait.ge @!p0 [sflag:s0], s1  }
0x80: {  	s1 =	ssub.s32 @!p0 $0x0, s1;
	[sflag:s0] =	ssyncset.done @!p0 $0x0  }
0x81: {  	[sflag:s0] =	ssyncadd.s32 @!p0 s1  }
0x82: {  	[bflag:$0x3] =	sbarrier.arrive $0xFFFF  }
0x83: {  	_ =	shalt  }

</sc_bundles>
